<compile_context>
chip_gen: v7x
topology: tpu7x:2x2x1
jax: 0.10.2.dev20260603
libtpu: 0.0.44.dev20260713+nightly
codegen_flags: <defaults>
</compile_context>

<pallas_src>
import functools

import jax
import jax.numpy as jnp
from jax import lax
from jax.experimental import pallas as pl
from jax.experimental.pallas import tpu as pltpu
from jax.experimental.pallas import tpu_sc as plsc

B = 32
D = 256
T = 576
N = 8192
NCH = 2048
NC = N // NCH
NSLOT = 2
TP = 640
GCHUNK = 144


def _fused_body(x_ref, e_ref, b2_ref, a2_ref,
                dist_ref, idx_ref, minv_ref, oh_ref,
                run_min, run_arg, dbuf, obuf, dsem, osem):
    b = pl.program_id(0)
    nc = pl.program_id(1)

    def _dcopy(slot, bb, cc):
        return pltpu.make_async_copy(
            dbuf.at[slot], dist_ref.at[bb, pl.ds(cc * NCH, NCH), :],
            dsem.at[slot])

    def _ocopy(slot, bb, cc):
        return pltpu.make_async_copy(
            obuf.at[slot], oh_ref.at[bb, pl.ds(cc * NCH, NCH), :],
            osem.at[slot])

    @pl.when(nc < NC)
    def _dist_phase():
        slot = lax.rem(nc, NSLOT)

        @pl.when((b > 0) | (nc >= NSLOT))
        def _():
            _dcopy(slot, b, nc).wait()

        xb = jnp.pad(x_ref[0], ((0, 0), (0, TP - T)))
        e = e_ref[:, pl.ds(nc * NCH, NCH)]
        mm = lax.dot_general(e, xb, (((0,), (0,)), ((), ())),
                             preferred_element_type=jnp.float32)
        b2 = b2_ref[pl.ds(nc * NCH, NCH), :]
        a2 = jnp.pad(a2_ref[0], ((0, 0), (0, TP - T)))
        d = (a2 - 2.0 * mm) + b2
        dbuf[slot] = d
        _dcopy(slot, b, nc).start()
        lmin = jnp.min(d, axis=0, keepdims=True)
        rows = lax.broadcasted_iota(jnp.int32, (NCH, TP), 0) + nc * NCH
        larg = jnp.min(jnp.where(d == lmin, rows, jnp.int32(2**30)),
                       axis=0, keepdims=True)

        @pl.when(nc == 0)
        def _():
            run_min[...] = lmin
            run_arg[...] = larg

        @pl.when(nc != 0)
        def _():
            pm = run_min[...]
            pa = run_arg[...]
            better = lmin < pm
            run_min[...] = jnp.where(better, lmin, pm)
            run_arg[...] = jnp.where(better, larg, pa)

        @pl.when(nc == NC - 1)
        def _():
            idx_ref[0] = run_arg[:, :T]
            minv_ref[0] = run_min[:, :T]

    @pl.when(nc >= NC)
    def _onehot_phase():
        c = nc - NC
        slot = lax.rem(c, NSLOT)

        @pl.when((b > 0) | (c >= NSLOT))
        def _():
            _ocopy(slot, b, c).wait()

        rows = lax.broadcasted_iota(jnp.int32, (NCH, TP), 0) + c * NCH
        obuf[slot] = (rows == run_arg[...]).astype(jnp.float32)
        _ocopy(slot, b, c).start()

    @pl.when((b == B - 1) & (nc == 2 * NC - 1))
    def _drain():
        for s in range(NSLOT):
            _dcopy(s, B - 1, NC - NSLOT + s).wait()
            _ocopy(s, B - 1, NC - NSLOT + s).wait()


def _fused_call(x, e, b2c, a2r):
    return pl.pallas_call(
        _fused_body,
        grid=(B, 2 * NC),
        in_specs=[
            pl.BlockSpec((1, D, T), lambda b, nc: (b, 0, 0)),
            pl.BlockSpec((D, N), lambda b, nc: (0, 0)),
            pl.BlockSpec((N, 1), lambda b, nc: (0, 0)),
            pl.BlockSpec((1, 1, T), lambda b, nc: (b, 0, 0)),
        ],
        out_specs=[
            pl.BlockSpec(memory_space=pl.ANY),
            pl.BlockSpec((1, 1, T), lambda b, nc: (b, 0, 0)),
            pl.BlockSpec((1, 1, T), lambda b, nc: (b, 0, 0)),
            pl.BlockSpec(memory_space=pl.ANY),
        ],
        out_shape=[
            jax.ShapeDtypeStruct((B, N, TP), jnp.float32),
            jax.ShapeDtypeStruct((B, 1, T), jnp.int32),
            jax.ShapeDtypeStruct((B, 1, T), jnp.float32),
            jax.ShapeDtypeStruct((B, N, TP), jnp.float32),
        ],
        scratch_shapes=[
            pltpu.VMEM((1, TP), jnp.float32),
            pltpu.VMEM((1, TP), jnp.int32),
            pltpu.VMEM((NSLOT, NCH, TP), jnp.float32),
            pltpu.VMEM((NSLOT, NCH, TP), jnp.float32),
            pltpu.SemaphoreType.DMA((NSLOT,)),
            pltpu.SemaphoreType.DMA((NSLOT,)),
        ],
        compiler_params=pltpu.CompilerParams(
            dimension_semantics=("arbitrary", "arbitrary")),
    )(x, e, b2c, a2r)


def _gather_call(table, idx_flat):
    rows_total = idx_flat.shape[0]
    info = plsc.get_sparse_core_info()
    nw = info.num_cores * info.num_subcores
    per_w = rows_total // nw
    nchunks = per_w // GCHUNK
    mesh = plsc.VectorSubcoreMesh(core_axis_name="c", subcore_axis_name="s")

    @functools.partial(
        pl.kernel, mesh=mesh,
        out_type=jax.ShapeDtypeStruct((rows_total, D), jnp.float32),
        scratch_types=[
            pltpu.VMEM((GCHUNK,), jnp.int32),
            pltpu.VMEM((GCHUNK, D), jnp.float32),
            pltpu.SemaphoreType.DMA,
        ],
    )
    def gk(table_hbm, idx_hbm, out_hbm, idx_v, rows_v, sem):
        wid = lax.axis_index("s") * info.num_cores + lax.axis_index("c")
        base = wid * per_w
        for c in range(nchunks):
            off = base + c * GCHUNK
            pltpu.sync_copy(idx_hbm.at[pl.ds(off, GCHUNK)], idx_v)
            pltpu.async_copy(table_hbm.at[idx_v], rows_v, sem).wait()
            pltpu.sync_copy(rows_v, out_hbm.at[pl.ds(off, GCHUNK)])

    return gk(table, idx_flat)


def kernel(x, embeddings):
    xr = jnp.transpose(x, (0, 2, 1)).reshape((-1, D))
    a2r = jnp.sum(jnp.square(xr), axis=1).reshape(B, 1, T)
    b2c = jnp.sum(jnp.square(embeddings), axis=0, keepdims=True).reshape(N, 1)

    dist_p, idx3, minv, oh_p = _fused_call(x, embeddings, b2c, a2r)
    dist_t = lax.slice(dist_p, (0, 0, 0), (B, N, T))
    one_hot_t = lax.slice(oh_p, (0, 0, 0), (B, N, T))

    et = embeddings.T
    q_rows = _gather_call(et, idx3.reshape(-1))
    quantized = jnp.transpose(q_rows.reshape(B, T, D), (0, 2, 1))

    loss = jnp.sum(minv) * (2.0 / (B * T * D))
    indices_output = idx3.reshape(B, T)
    return (quantized, loss, one_hot_t, indices_output, dist_t, xr, et)

# --- scband reference (transcript-rebuilt; emitter-appended) ---
"""Pipeline reference for scband-vector-quantizer1-d-43885975831076 (READ-ONLY COPY).

The authoritative reference and input builder live on the scoring server;
editing this copy changes nothing except your own understanding.
"""

import jax, jax.numpy as jnp
import numpy as np

EMBEDDING_DIM = 256
NUM_EMBEDDINGS = 8192

def setup_inputs(seed: int = 0) -> dict:
    key = jax.random.key(seed)
    kx, ke = jax.random.split(key)
    x = jax.random.normal(kx, (32, EMBEDDING_DIM, 576), dtype=jnp.float32)
    bound = float(np.sqrt(6.0 / (EMBEDDING_DIM + NUM_EMBEDDINGS)))
    embeddings = jax.random.uniform(ke, (EMBEDDING_DIM, NUM_EMBEDDINGS), dtype=jnp.float32, minval=-bound, maxval=bound)
    return {"x": x, "embeddings": embeddings}

def reference(x, embeddings):
    bs, D, seq_len = x.shape
    inputs = x
    xr = jnp.transpose(x, (0, 2, 1)).reshape((-1, D))
    unquantized = xr
    a2 = jnp.sum(jnp.square(xr), axis=1, keepdims=True)
    ab2 = 2.0 * jnp.matmul(xr, embeddings)
    b2 = jnp.sum(jnp.square(embeddings), axis=0, keepdims=True)
    distance = a2 - ab2 + b2
    encoding_indices = jnp.argmax(-distance, axis=1)
    one_hot = jax.nn.one_hot(encoding_indices, NUM_EMBEDDINGS, dtype=jnp.float32)
    quantized = jnp.take(embeddings.T, encoding_indices, axis=0)
    quantized = jnp.transpose(quantized.reshape((-1, seq_len, D)), (0, 2, 1))
    e_latent_loss = jnp.mean(jnp.square(quantized - jax.lax.stop_gradient(inputs)))
    q_latent_loss = jnp.mean(jnp.square(jax.lax.stop_gradient(quantized) - inputs))
    loss = q_latent_loss + e_latent_loss
    quantized_st = inputs + jax.lax.stop_gradient(quantized - inputs)
    indices_output = encoding_indices.reshape((-1, seq_len))
    return (quantized_st,
            loss,
            jnp.transpose(one_hot.reshape((bs, seq_len, -1)), (0, 2, 1)),
            indices_output,
            jnp.transpose(distance.reshape((bs, seq_len, -1)), (0, 2, 1)),
            unquantized,
            embeddings.T)

if __name__ == "__main__":
    import jax
    _d = setup_inputs()
    print(jax.jit(kernel)(*tuple(_d.values())))

</pallas_src>

<mosaic_0001>
#map = affine_map<(d0, d1) -> (0, 0)>
#map1 = affine_map<(d0, d1) -> (0)>
module attributes {stable_mosaic.version = 14 : i64} {
  func.func @gk(%arg0: i32, %arg1: i32, %arg2: memref<8192x256xf32, #tpu.memory_space<hbm>>, %arg3: memref<18432xi32, #tpu.memory_space<hbm>>, %arg4: memref<18432x256xf32, #tpu.memory_space<hbm>>, %arg5: memref<144xi32, #tpu.memory_space<vmem>>, %arg6: memref<144x256xf32, #tpu.memory_space<vmem>>, %arg7: memref<!tpu.dma_semaphore, #tpu.memory_space<semaphore_mem>>) attributes {dimension_semantics = [#tpu.dimension_semantics<core_parallel>, #tpu.dimension_semantics<subcore_parallel>], iteration_bounds = array<i64: 2, 16>, scalar_prefetch = 0 : i64, scratch_operands = 3 : i64, tpu.core_type = #tpu.core_type<sc_vector_subcore>, window_params = [{transform_indices = #map}, {transform_indices = #map1}, {transform_indices = #map}]} {
    %mul3A = arith.constant 2 : i32
    %mul3A_0 = arith.muli %arg1, %mul3A : i32
    %add3A = arith.addi %mul3A_0, %arg0 : i32
    %mul3A_1 = arith.constant 576 : i32
    %mul3A_2 = arith.muli %add3A, %mul3A_1 : i32
    %add3A_3 = arith.constant 0 : i32
    %add3A_4 = arith.addi %mul3A_2, %add3A_3 : i32
    "tpu.region"() ({
      %run_scoped3A = tpu.sem_alloc : memref<!tpu.dma_semaphore, #tpu.memory_space<semaphore_mem>>
      %dma_start3A_33 = tpu.memref_slice %arg3[%add3A_4] : memref<18432xi32, #tpu.memory_space<hbm>> -> memref<144xi32, #tpu.memory_space<hbm>>
      %dma_start3A_34 = tpu.memref_slice %arg3[%add3A_4] : memref<18432xi32, #tpu.memory_space<hbm>> -> memref<144xi32, #tpu.memory_space<hbm>>
      tpu.enqueue_dma source(%dma_start3A_34 : memref<144xi32, #tpu.memory_space<hbm>>) target(%arg5 : memref<144xi32, #tpu.memory_space<vmem>>) target_semaphore(%run_scoped3A : memref<!tpu.dma_semaphore, #tpu.memory_space<semaphore_mem>>)
      %dma_wait3A_35 = tpu.memref_slice %arg3[%add3A_4] : memref<18432xi32, #tpu.memory_space<hbm>> -> memref<144xi32, #tpu.memory_space<hbm>>
      %dma_wait3A_36 = tpu.memref_slice %arg3[%add3A_4] : memref<18432xi32, #tpu.memory_space<hbm>> -> memref<144xi32, #tpu.memory_space<hbm>>
      tpu.wait_dma2 semaphore(%run_scoped3A : memref<!tpu.dma_semaphore, #tpu.memory_space<semaphore_mem>>) src(%dma_wait3A_36 : memref<144xi32, #tpu.memory_space<hbm>>) dst(%arg5 : memref<144xi32, #tpu.memory_space<vmem>>)
      tpu.yield
    }) : () -> ()
    %dma_start3A = arith.constant 0 : i32
    %dma_start3A_5 = arith.constant 0 : i32
    %dma_start3A_6 = tpu.memref_slice %arg2[%dma_start3A, %dma_start3A_5] : memref<8192x256xf32, #tpu.memory_space<hbm>> -> memref<8192x256xf32, #tpu.memory_space<hbm>>
    tpu.enqueue_indirect_dma source(%dma_start3A_6 : memref<8192x256xf32, #tpu.memory_space<hbm>>) target(%arg6 : memref<144x256xf32, #tpu.memory_space<vmem>>) offsets(%arg5 : memref<144xi32, #tpu.memory_space<vmem>>) semaphore(%arg7 : memref<!tpu.dma_semaphore, #tpu.memory_space<semaphore_mem>>)
    %dma_wait3A = arith.constant 0 : i32
    %dma_wait3A_7 = arith.constant 0 : i32
    %dma_wait3A_8 = tpu.memref_slice %arg2[%dma_wait3A, %dma_wait3A_7] : memref<8192x256xf32, #tpu.memory_space<hbm>> -> memref<8192x256xf32, #tpu.memory_space<hbm>>
    tpu.wait_indirect_dma semaphore(%arg7 : memref<!tpu.dma_semaphore, #tpu.memory_space<semaphore_mem>>) src(%dma_wait3A_8 : memref<8192x256xf32, #tpu.memory_space<hbm>>) dst(%arg6 : memref<144x256xf32, #tpu.memory_space<vmem>>)
    "tpu.region"() ({
      %run_scoped3A = tpu.sem_alloc : memref<!tpu.dma_semaphore, #tpu.memory_space<semaphore_mem>>
      %dma_start3A_33 = arith.constant 0 : i32
      %dma_start3A_34 = tpu.memref_slice %arg4[%add3A_4, %dma_start3A_33] : memref<18432x256xf32, #tpu.memory_space<hbm>> -> memref<144x256xf32, #tpu.memory_space<hbm>>
      %dma_start3A_35 = arith.constant 0 : i32
      %dma_start3A_36 = tpu.memref_slice %arg4[%add3A_4, %dma_start3A_35] : memref<18432x256xf32, #tpu.memory_space<hbm>> -> memref<144x256xf32, #tpu.memory_space<hbm>>
      tpu.enqueue_dma source(%arg6 : memref<144x256xf32, #tpu.memory_space<vmem>>) target(%dma_start3A_36 : memref<144x256xf32, #tpu.memory_space<hbm>>) target_semaphore(%run_scoped3A : memref<!tpu.dma_semaphore, #tpu.memory_space<semaphore_mem>>)
      %dma_wait3A_37 = arith.constant 0 : i32
      %dma_wait3A_38 = tpu.memref_slice %arg4[%add3A_4, %dma_wait3A_37] : memref<18432x256xf32, #tpu.memory_space<hbm>> -> memref<144x256xf32, #tpu.memory_space<hbm>>
      %dma_wait3A_39 = arith.constant 0 : i32
      %dma_wait3A_40 = tpu.memref_slice %arg4[%add3A_4, %dma_wait3A_39] : memref<18432x256xf32, #tpu.memory_space<hbm>> -> memref<144x256xf32, #tpu.memory_space<hbm>>
      tpu.wait_dma2 semaphore(%run_scoped3A : memref<!tpu.dma_semaphore, #tpu.memory_space<semaphore_mem>>) src(%arg6 : memref<144x256xf32, #tpu.memory_space<vmem>>) dst(%dma_wait3A_40 : memref<144x256xf32, #tpu.memory_space<hbm>>)
      tpu.yield
    }) : () -> ()
    %add3A_9 = arith.constant 144 : i32
    %add3A_10 = arith.addi %mul3A_2, %add3A_9 : i32
    "tpu.region"() ({
      %run_scoped3A = tpu.sem_alloc : memref<!tpu.dma_semaphore, #tpu.memory_space<semaphore_mem>>
      %dma_start3A_33 = tpu.memref_slice %arg3[%add3A_10] : memref<18432xi32, #tpu.memory_space<hbm>> -> memref<144xi32, #tpu.memory_space<hbm>>
      %dma_start3A_34 = tpu.memref_slice %arg3[%add3A_10] : memref<18432xi32, #tpu.memory_space<hbm>> -> memref<144xi32, #tpu.memory_space<hbm>>
      tpu.enqueue_dma source(%dma_start3A_34 : memref<144xi32, #tpu.memory_space<hbm>>) target(%arg5 : memref<144xi32, #tpu.memory_space<vmem>>) target_semaphore(%run_scoped3A : memref<!tpu.dma_semaphore, #tpu.memory_space<semaphore_mem>>)
      %dma_wait3A_35 = tpu.memref_slice %arg3[%add3A_10] : memref<18432xi32, #tpu.memory_space<hbm>> -> memref<144xi32, #tpu.memory_space<hbm>>
      %dma_wait3A_36 = tpu.memref_slice %arg3[%add3A_10] : memref<18432xi32, #tpu.memory_space<hbm>> -> memref<144xi32, #tpu.memory_space<hbm>>
      tpu.wait_dma2 semaphore(%run_scoped3A : memref<!tpu.dma_semaphore, #tpu.memory_space<semaphore_mem>>) src(%dma_wait3A_36 : memref<144xi32, #tpu.memory_space<hbm>>) dst(%arg5 : memref<144xi32, #tpu.memory_space<vmem>>)
      tpu.yield
    }) : () -> ()
    %dma_start3A_11 = arith.constant 0 : i32
    %dma_start3A_12 = arith.constant 0 : i32
    %dma_start3A_13 = tpu.memref_slice %arg2[%dma_start3A_11, %dma_start3A_12] : memref<8192x256xf32, #tpu.memory_space<hbm>> -> memref<8192x256xf32, #tpu.memory_space<hbm>>
    tpu.enqueue_indirect_dma source(%dma_start3A_13 : memref<8192x256xf32, #tpu.memory_space<hbm>>) target(%arg6 : memref<144x256xf32, #tpu.memory_space<vmem>>) offsets(%arg5 : memref<144xi32, #tpu.memory_space<vmem>>) semaphore(%arg7 : memref<!tpu.dma_semaphore, #tpu.memory_space<semaphore_mem>>)
    %dma_wait3A_14 = arith.constant 0 : i32
    %dma_wait3A_15 = arith.constant 0 : i32
    %dma_wait3A_16 = tpu.memref_slice %arg2[%dma_wait3A_14, %dma_wait3A_15] : memref<8192x256xf32, #tpu.memory_space<hbm>> -> memref<8192x256xf32, #tpu.memory_space<hbm>>
    tpu.wait_indirect_dma semaphore(%arg7 : memref<!tpu.dma_semaphore, #tpu.memory_space<semaphore_mem>>) src(%dma_wait3A_16 : memref<8192x256xf32, #tpu.memory_space<hbm>>) dst(%arg6 : memref<144x256xf32, #tpu.memory_space<vmem>>)
    "tpu.region"() ({
      %run_scoped3A = tpu.sem_alloc : memref<!tpu.dma_semaphore, #tpu.memory_space<semaphore_mem>>
      %dma_start3A_33 = arith.constant 0 : i32
      %dma_start3A_34 = tpu.memref_slice %arg4[%add3A_10, %dma_start3A_33] : memref<18432x256xf32, #tpu.memory_space<hbm>> -> memref<144x256xf32, #tpu.memory_space<hbm>>
      %dma_start3A_35 = arith.constant 0 : i32
      %dma_start3A_36 = tpu.memref_slice %arg4[%add3A_10, %dma_start3A_35] : memref<18432x256xf32, #tpu.memory_space<hbm>> -> memref<144x256xf32, #tpu.memory_space<hbm>>
      tpu.enqueue_dma source(%arg6 : memref<144x256xf32, #tpu.memory_space<vmem>>) target(%dma_start3A_36 : memref<144x256xf32, #tpu.memory_space<hbm>>) target_semaphore(%run_scoped3A : memref<!tpu.dma_semaphore, #tpu.memory_space<semaphore_mem>>)
      %dma_wait3A_37 = arith.constant 0 : i32
      %dma_wait3A_38 = tpu.memref_slice %arg4[%add3A_10, %dma_wait3A_37] : memref<18432x256xf32, #tpu.memory_space<hbm>> -> memref<144x256xf32, #tpu.memory_space<hbm>>
      %dma_wait3A_39 = arith.constant 0 : i32
      %dma_wait3A_40 = tpu.memref_slice %arg4[%add3A_10, %dma_wait3A_39] : memref<18432x256xf32, #tpu.memory_space<hbm>> -> memref<144x256xf32, #tpu.memory_space<hbm>>
      tpu.wait_dma2 semaphore(%run_scoped3A : memref<!tpu.dma_semaphore, #tpu.memory_space<semaphore_mem>>) src(%arg6 : memref<144x256xf32, #tpu.memory_space<vmem>>) dst(%dma_wait3A_40 : memref<144x256xf32, #tpu.memory_space<hbm>>)
      tpu.yield
    }) : () -> ()
    %add3A_17 = arith.constant 288 : i32
    %add3A_18 = arith.addi %mul3A_2, %add3A_17 : i32
    "tpu.region"() ({
      %run_scoped3A = tpu.sem_alloc : memref<!tpu.dma_semaphore, #tpu.memory_space<semaphore_mem>>
      %dma_start3A_33 = tpu.memref_slice %arg3[%add3A_18] : memref<18432xi32, #tpu.memory_space<hbm>> -> memref<144xi32, #tpu.memory_space<hbm>>
      %dma_start3A_34 = tpu.memref_slice %arg3[%add3A_18] : memref<18432xi32, #tpu.memory_space<hbm>> -> memref<144xi32, #tpu.memory_space<hbm>>
      tpu.enqueue_dma source(%dma_start3A_34 : memref<144xi32, #tpu.memory_space<hbm>>) target(%arg5 : memref<144xi32, #tpu.memory_space<vmem>>) target_semaphore(%run_scoped3A : memref<!tpu.dma_semaphore, #tpu.memory_space<semaphore_mem>>)
      %dma_wait3A_35 = tpu.memref_slice %arg3[%add3A_18] : memref<18432xi32, #tpu.memory_space<hbm>> -> memref<144xi32, #tpu.memory_space<hbm>>
      %dma_wait3A_36 = tpu.memref_slice %arg3[%add3A_18] : memref<18432xi32, #tpu.memory_space<hbm>> -> memref<144xi32, #tpu.memory_space<hbm>>
      tpu.wait_dma2 semaphore(%run_scoped3A : memref<!tpu.dma_semaphore, #tpu.memory_space<semaphore_mem>>) src(%dma_wait3A_36 : memref<144xi32, #tpu.memory_space<hbm>>) dst(%arg5 : memref<144xi32, #tpu.memory_space<vmem>>)
      tpu.yield
    }) : () -> ()
    %dma_start3A_19 = arith.constant 0 : i32
    %dma_start3A_20 = arith.constant 0 : i32
    %dma_start3A_21 = tpu.memref_slice %arg2[%dma_start3A_19, %dma_start3A_20] : memref<8192x256xf32, #tpu.memory_space<hbm>> -> memref<8192x256xf32, #tpu.memory_space<hbm>>
    tpu.enqueue_indirect_dma source(%dma_start3A_21 : memref<8192x256xf32, #tpu.memory_space<hbm>>) target(%arg6 : memref<144x256xf32, #tpu.memory_space<vmem>>) offsets(%arg5 : memref<144xi32, #tpu.memory_space<vmem>>) semaphore(%arg7 : memref<!tpu.dma_semaphore, #tpu.memory_space<semaphore_mem>>)
    %dma_wait3A_22 = arith.constant 0 : i32
    %dma_wait3A_23 = arith.constant 0 : i32
    %dma_wait3A_24 = tpu.memref_slice %arg2[%dma_wait3A_22, %dma_wait3A_23] : memref<8192x256xf32, #tpu.memory_space<hbm>> -> memref<8192x256xf32, #tpu.memory_space<hbm>>
    tpu.wait_indirect_dma semaphore(%arg7 : memref<!tpu.dma_semaphore, #tpu.memory_space<semaphore_mem>>) src(%dma_wait3A_24 : memref<8192x256xf32, #tpu.memory_space<hbm>>) dst(%arg6 : memref<144x256xf32, #tpu.memory_space<vmem>>)
    "tpu.region"() ({
      %run_scoped3A = tpu.sem_alloc : memref<!tpu.dma_semaphore, #tpu.memory_space<semaphore_mem>>
      %dma_start3A_33 = arith.constant 0 : i32
      %dma_start3A_34 = tpu.memref_slice %arg4[%add3A_18, %dma_start3A_33] : memref<18432x256xf32, #tpu.memory_space<hbm>> -> memref<144x256xf32, #tpu.memory_space<hbm>>
      %dma_start3A_35 = arith.constant 0 : i32
      %dma_start3A_36 = tpu.memref_slice %arg4[%add3A_18, %dma_start3A_35] : memref<18432x256xf32, #tpu.memory_space<hbm>> -> memref<144x256xf32, #tpu.memory_space<hbm>>
      tpu.enqueue_dma source(%arg6 : memref<144x256xf32, #tpu.memory_space<vmem>>) target(%dma_start3A_36 : memref<144x256xf32, #tpu.memory_space<hbm>>) target_semaphore(%run_scoped3A : memref<!tpu.dma_semaphore, #tpu.memory_space<semaphore_mem>>)
      %dma_wait3A_37 = arith.constant 0 : i32
      %dma_wait3A_38 = tpu.memref_slice %arg4[%add3A_18, %dma_wait3A_37] : memref<18432x256xf32, #tpu.memory_space<hbm>> -> memref<144x256xf32, #tpu.memory_space<hbm>>
      %dma_wait3A_39 = arith.constant 0 : i32
      %dma_wait3A_40 = tpu.memref_slice %arg4[%add3A_18, %dma_wait3A_39] : memref<18432x256xf32, #tpu.memory_space<hbm>> -> memref<144x256xf32, #tpu.memory_space<hbm>>
      tpu.wait_dma2 semaphore(%run_scoped3A : memref<!tpu.dma_semaphore, #tpu.memory_space<semaphore_mem>>) src(%arg6 : memref<144x256xf32, #tpu.memory_space<vmem>>) dst(%dma_wait3A_40 : memref<144x256xf32, #tpu.memory_space<hbm>>)
      tpu.yield
    }) : () -> ()
    %add3A_25 = arith.constant 432 : i32
    %add3A_26 = arith.addi %mul3A_2, %add3A_25 : i32
    "tpu.region"() ({
      %run_scoped3A = tpu.sem_alloc : memref<!tpu.dma_semaphore, #tpu.memory_space<semaphore_mem>>
      %dma_start3A_33 = tpu.memref_slice %arg3[%add3A_26] : memref<18432xi32, #tpu.memory_space<hbm>> -> memref<144xi32, #tpu.memory_space<hbm>>
      %dma_start3A_34 = tpu.memref_slice %arg3[%add3A_26] : memref<18432xi32, #tpu.memory_space<hbm>> -> memref<144xi32, #tpu.memory_space<hbm>>
      tpu.enqueue_dma source(%dma_start3A_34 : memref<144xi32, #tpu.memory_space<hbm>>) target(%arg5 : memref<144xi32, #tpu.memory_space<vmem>>) target_semaphore(%run_scoped3A : memref<!tpu.dma_semaphore, #tpu.memory_space<semaphore_mem>>)
      %dma_wait3A_35 = tpu.memref_slice %arg3[%add3A_26] : memref<18432xi32, #tpu.memory_space<hbm>> -> memref<144xi32, #tpu.memory_space<hbm>>
      %dma_wait3A_36 = tpu.memref_slice %arg3[%add3A_26] : memref<18432xi32, #tpu.memory_space<hbm>> -> memref<144xi32, #tpu.memory_space<hbm>>
      tpu.wait_dma2 semaphore(%run_scoped3A : memref<!tpu.dma_semaphore, #tpu.memory_space<semaphore_mem>>) src(%dma_wait3A_36 : memref<144xi32, #tpu.memory_space<hbm>>) dst(%arg5 : memref<144xi32, #tpu.memory_space<vmem>>)
      tpu.yield
    }) : () -> ()
    %dma_start3A_27 = arith.constant 0 : i32
    %dma_start3A_28 = arith.constant 0 : i32
    %dma_start3A_29 = tpu.memref_slice %arg2[%dma_start3A_27, %dma_start3A_28] : memref<8192x256xf32, #tpu.memory_space<hbm>> -> memref<8192x256xf32, #tpu.memory_space<hbm>>
    tpu.enqueue_indirect_dma source(%dma_start3A_29 : memref<8192x256xf32, #tpu.memory_space<hbm>>) target(%arg6 : memref<144x256xf32, #tpu.memory_space<vmem>>) offsets(%arg5 : memref<144xi32, #tpu.memory_space<vmem>>) semaphore(%arg7 : memref<!tpu.dma_semaphore, #tpu.memory_space<semaphore_mem>>)
    %dma_wait3A_30 = arith.constant 0 : i32
    %dma_wait3A_31 = arith.constant 0 : i32
    %dma_wait3A_32 = tpu.memref_slice %arg2[%dma_wait3A_30, %dma_wait3A_31] : memref<8192x256xf32, #tpu.memory_space<hbm>> -> memref<8192x256xf32, #tpu.memory_space<hbm>>
    tpu.wait_indirect_dma semaphore(%arg7 : memref<!tpu.dma_semaphore, #tpu.memory_space<semaphore_mem>>) src(%dma_wait3A_32 : memref<8192x256xf32, #tpu.memory_space<hbm>>) dst(%arg6 : memref<144x256xf32, #tpu.memory_space<vmem>>)
    "tpu.region"() ({
      %run_scoped3A = tpu.sem_alloc : memref<!tpu.dma_semaphore, #tpu.memory_space<semaphore_mem>>
      %dma_start3A_33 = arith.constant 0 : i32
      %dma_start3A_34 = tpu.memref_slice %arg4[%add3A_26, %dma_start3A_33] : memref<18432x256xf32, #tpu.memory_space<hbm>> -> memref<144x256xf32, #tpu.memory_space<hbm>>
      %dma_start3A_35 = arith.constant 0 : i32
      %dma_start3A_36 = tpu.memref_slice %arg4[%add3A_26, %dma_start3A_35] : memref<18432x256xf32, #tpu.memory_space<hbm>> -> memref<144x256xf32, #tpu.memory_space<hbm>>
      tpu.enqueue_dma source(%arg6 : memref<144x256xf32, #tpu.memory_space<vmem>>) target(%dma_start3A_36 : memref<144x256xf32, #tpu.memory_space<hbm>>) target_semaphore(%run_scoped3A : memref<!tpu.dma_semaphore, #tpu.memory_space<semaphore_mem>>)
      %dma_wait3A_37 = arith.constant 0 : i32
      %dma_wait3A_38 = tpu.memref_slice %arg4[%add3A_26, %dma_wait3A_37] : memref<18432x256xf32, #tpu.memory_space<hbm>> -> memref<144x256xf32, #tpu.memory_space<hbm>>
      %dma_wait3A_39 = arith.constant 0 : i32
      %dma_wait3A_40 = tpu.memref_slice %arg4[%add3A_26, %dma_wait3A_39] : memref<18432x256xf32, #tpu.memory_space<hbm>> -> memref<144x256xf32, #tpu.memory_space<hbm>>
      tpu.wait_dma2 semaphore(%run_scoped3A : memref<!tpu.dma_semaphore, #tpu.memory_space<semaphore_mem>>) src(%arg6 : memref<144x256xf32, #tpu.memory_space<vmem>>) dst(%dma_wait3A_40 : memref<144x256xf32, #tpu.memory_space<hbm>>)
      tpu.yield
    }) : () -> ()
    return
  }
}

module attributes {stable_mosaic.version = 14 : i64} {
  func.func @_fused_body(%arg0: i32, %arg1: i32, %arg2: memref<1x256x576xf32, #tpu.memory_space<vmem>>, %arg3: memref<256x8192xf32, #tpu.memory_space<vmem>>, %arg4: memref<8192x1xf32, #tpu.memory_space<vmem>>, %arg5: memref<1x1x576xf32, #tpu.memory_space<vmem>>, %arg6: memref<32x8192x640xf32, #tpu.memory_space<any>>, %arg7: memref<1x1x576xi32, #tpu.memory_space<vmem>>, %arg8: memref<1x1x576xf32, #tpu.memory_space<vmem>>, %arg9: memref<32x8192x640xf32, #tpu.memory_space<any>>, %arg10: memref<1x640xf32, #tpu.memory_space<vmem>>, %arg11: memref<1x640xi32, #tpu.memory_space<vmem>>, %arg12: memref<2x2048x640xf32, #tpu.memory_space<vmem>>, %arg13: memref<2x2048x640xf32, #tpu.memory_space<vmem>>, %arg14: memref<2x!tpu.dma_semaphore, #tpu.memory_space<semaphore_mem>>, %arg15: memref<2x!tpu.dma_semaphore, #tpu.memory_space<semaphore_mem>>) attributes {dimension_semantics = [#tpu.dimension_semantics<arbitrary>, #tpu.dimension_semantics<arbitrary>], iteration_bounds = array<i64: 32, 8>, scalar_prefetch = 0 : i64, scratch_operands = 6 : i64, tpu.core_type = #tpu.core_type<tc>, window_params = [{transform_indices = @transform_0, window_bounds = array<i64: 1, 256, 576>}, {pipeline_mode = #tpu.pipeline_mode<synchronous>, transform_indices = @transform_1, window_bounds = array<i64: 256, 8192>}, {pipeline_mode = #tpu.pipeline_mode<synchronous>, transform_indices = @transform_2, window_bounds = array<i64: 8192, 1>}, {transform_indices = @transform_3, window_bounds = array<i64: 1, 1, 576>}, {}, {transform_indices = @transform_5, window_bounds = array<i64: 1, 1, 576>}, {transform_indices = @transform_6, window_bounds = array<i64: 1, 1, 576>}, {}]} {
    %lt3A = arith.constant 4 : i32
    %lt3A_0 = arith.cmpi slt, %arg1, %lt3A : i32
    %convert_element_type3A = arith.extui %lt3A_0 : i1 to i32
    %cond3A = arith.constant 0 : i32
    %cond3A_1 = arith.cmpi ne, %convert_element_type3A, %cond3A : i32
    scf.if %cond3A_1 {
      %rem3A = arith.constant 2 : i32
      %rem3A_12 = arith.remsi %arg1, %rem3A : i32
      %gt3A = arith.constant 0 : i32
      %gt3A_13 = arith.cmpi sgt, %arg0, %gt3A : i32
      %ge3A_14 = arith.constant 2 : i32
      %ge3A_15 = arith.cmpi sge, %arg1, %ge3A_14 : i32
      %or3A = arith.ori %gt3A_13, %ge3A_15 : i1
      %convert_element_type3A_16 = arith.extui %or3A : i1 to i32
      %cond3A_17 = arith.constant 0 : i32
      %cond3A_18 = arith.cmpi ne, %convert_element_type3A_16, %cond3A_17 : i32
      scf.if %cond3A_18 {
        %mul3A_90 = arith.constant 2048 : i32
        %mul3A_91 = arith.muli %arg1, %mul3A_90 : i32
        %dma_wait3A = tpu.memref_slice %arg14[%rem3A_12] : memref<2x!tpu.dma_semaphore, #tpu.memory_space<semaphore_mem>> -> memref<1x!tpu.dma_semaphore, #tpu.memory_space<semaphore_mem>>
        %dma_wait3A_92 = tpu.memref_squeeze %dma_wait3A : memref<1x!tpu.dma_semaphore, #tpu.memory_space<semaphore_mem>> -> memref<!tpu.dma_semaphore, #tpu.memory_space<semaphore_mem>>
        %dma_wait3A_93 = arith.constant 0 : i32
        %dma_wait3A_94 = tpu.memref_slice %arg6[%arg0, %mul3A_91, %dma_wait3A_93] : memref<32x8192x640xf32, #tpu.memory_space<any>> -> memref<1x2048x640xf32, #tpu.memory_space<any>>
        %dma_wait3A_95 = tpu.memref_squeeze %dma_wait3A_94 : memref<1x2048x640xf32, #tpu.memory_space<any>> -> memref<2048x640xf32, #tpu.memory_space<any>>
        %dma_wait3A_96 = arith.constant 0 : i32
        %dma_wait3A_97 = arith.constant 0 : i32
        %dma_wait3A_98 = tpu.memref_slice %arg12[%rem3A_12, %dma_wait3A_96, %dma_wait3A_97] : memref<2x2048x640xf32, #tpu.memory_space<vmem>> -> memref<1x2048x640xf32, #tpu.memory_space<vmem>>
        %dma_wait3A_99 = tpu.memref_squeeze %dma_wait3A_98 : memref<1x2048x640xf32, #tpu.memory_space<vmem>> -> memref<2048x640xf32, #tpu.memory_space<vmem>>
        tpu.wait_dma2 semaphore(%dma_wait3A_92 : memref<!tpu.dma_semaphore, #tpu.memory_space<semaphore_mem>>) src(%dma_wait3A_99 : memref<2048x640xf32, #tpu.memory_space<vmem>>) dst(%dma_wait3A_95 : memref<2048x640xf32, #tpu.memory_space<any>>)
      } else {
      }
      %get3A = arith.constant 0 : index
      %get3A_19 = arith.constant 0 : index
      %get3A_20 = arith.constant 0 : index
      %get3A_21 = vector.load %arg2[%get3A, %get3A_19, %get3A_20] : memref<1x256x576xf32, #tpu.memory_space<vmem>>, vector<1x256x576xf32>
      %get3A_22 = vector.shape_cast %get3A_21 : vector<1x256x576xf32> to vector<256x576xf32>
      %jit3A = arith.constant 0 : i32
      %convert_element_type3A_23 = arith.sitofp %jit3A : i32 to f32
      %pad3A = vector.broadcast %convert_element_type3A_23 : f32 to vector<256x64xf32>
      %pad3A_24 = tpu.concatenate %get3A_22, %pad3A in 1 : vector<256x576xf32>, vector<256x64xf32> -> vector<256x640xf32>
      %mul3A = arith.constant 2048 : i32
      %mul3A_25 = arith.muli %arg1, %mul3A : i32
      %get3A_26 = arith.constant 0 : index
      %get3A_27 = arith.index_cast %mul3A_25 : i32 to index
      %get3A_28 = vector.load %arg3[%get3A_26, %get3A_27] : memref<256x8192xf32, #tpu.memory_space<vmem>>, vector<256x2048xf32>
      %dot_general3A = arith.constant dense<0.000000e+00> : vector<2048x640xf32>
      %dot_general3A_29 = tpu.matmul %get3A_28, %pad3A_24, %dot_general3A {dimension_numbers = #tpu.dot_dimension_numbers<[0], [0], [1], [1], [0, 1, 1, 1], [], []>, transpose_lhs_hint = false} : vector<256x2048xf32>, vector<256x640xf32>, vector<2048x640xf32> -> vector<2048x640xf32>
      %mul3A_30 = arith.constant 2048 : i32
      %mul3A_31 = arith.muli %arg1, %mul3A_30 : i32
      %get3A_32 = arith.index_cast %mul3A_31 : i32 to index
      %get3A_33 = arith.constant 0 : index
      %get3A_34 = vector.load %arg4[%get3A_32, %get3A_33] : memref<8192x1xf32, #tpu.memory_space<vmem>>, vector<2048x1xf32>
      %get3A_35 = arith.constant 0 : index
      %get3A_36 = arith.constant 0 : index
      %get3A_37 = arith.constant 0 : index
      %get3A_38 = vector.load %arg5[%get3A_35, %get3A_36, %get3A_37] : memref<1x1x576xf32, #tpu.memory_space<vmem>>, vector<1x1x576xf32>
      %get3A_39 = vector.shape_cast %get3A_38 : vector<1x1x576xf32> to vector<1x576xf32>
      %jit3A_40 = arith.constant 0 : i32
      %convert_element_type3A_41 = arith.sitofp %jit3A_40 : i32 to f32
      %pad3A_42 = vector.broadcast %convert_element_type3A_41 : f32 to vector<1x64xf32>
      %pad3A_43 = tpu.concatenate %get3A_39, %pad3A_42 in 1 : vector<1x576xf32>, vector<1x64xf32> -> vector<1x640xf32>
      %mul3A_44 = arith.constant 2.000000e+00 : f32
      %mul3A_45 = vector.broadcast %mul3A_44 : f32 to vector<2048x640xf32>
      %mul3A_46 = arith.mulf %mul3A_45, %dot_general3A_29 : vector<2048x640xf32>
      %sub3A = vector.broadcast %pad3A_43 : vector<1x640xf32> to vector<2048x640xf32>
      %sub3A_47 = arith.subf %sub3A, %mul3A_46 : vector<2048x640xf32>
      %add3A = vector.broadcast %get3A_34 : vector<2048x1xf32> to vector<2048x640xf32>
      %add3A_48 = arith.addf %sub3A_47, %add3A : vector<2048x640xf32>
      %swap3A = arith.index_cast %rem3A_12 : i32 to index
      %swap3A_49 = arith.constant 0 : index
      %swap3A_50 = arith.constant 0 : index
      %swap3A_51 = vector.load %arg12[%swap3A, %swap3A_49, %swap3A_50] : memref<2x2048x640xf32, #tpu.memory_space<vmem>>, vector<1x2048x640xf32>
      %swap3A_52 = vector.shape_cast %swap3A_51 : vector<1x2048x640xf32> to vector<2048x640xf32>
      %swap3A_53 = vector.shape_cast %add3A_48 : vector<2048x640xf32> to vector<1x2048x640xf32>
      tpu.vector_store %arg12[%swap3A, %swap3A_49, %swap3A_50], %swap3A_53 {strides = array<i32>} : memref<2x2048x640xf32, #tpu.memory_space<vmem>>, vector<1x2048x640xf32>,
      %mul3A_54 = arith.constant 2048 : i32
      %mul3A_55 = arith.muli %arg1, %mul3A_54 : i32
      %dma_start3A = tpu.memref_slice %arg14[%rem3A_12] : memref<2x!tpu.dma_semaphore, #tpu.memory_space<semaphore_mem>> -> memref<1x!tpu.dma_semaphore, #tpu.memory_space<semaphore_mem>>
      %dma_start3A_56 = tpu.memref_squeeze %dma_start3A : memref<1x!tpu.dma_semaphore, #tpu.memory_space<semaphore_mem>> -> memref<!tpu.dma_semaphore, #tpu.memory_space<semaphore_mem>>
      %dma_start3A_57 = arith.constant 0 : i32
      %dma_start3A_58 = tpu.memref_slice %arg6[%arg0, %mul3A_55, %dma_start3A_57] : memref<32x8192x640xf32, #tpu.memory_space<any>> -> memref<1x2048x640xf32, #tpu.memory_space<any>>
      %dma_start3A_59 = tpu.memref_squeeze %dma_start3A_58 : memref<1x2048x640xf32, #tpu.memory_space<any>> -> memref<2048x640xf32, #tpu.memory_space<any>>
      %dma_start3A_60 = arith.constant 0 : i32
      %dma_start3A_61 = arith.constant 0 : i32
      %dma_start3A_62 = tpu.memref_slice %arg12[%rem3A_12, %dma_start3A_60, %dma_start3A_61] : memref<2x2048x640xf32, #tpu.memory_space<vmem>> -> memref<1x2048x640xf32, #tpu.memory_space<vmem>>
      %dma_start3A_63 = tpu.memref_squeeze %dma_start3A_62 : memref<1x2048x640xf32, #tpu.memory_space<vmem>> -> memref<2048x640xf32, #tpu.memory_space<vmem>>
      tpu.enqueue_dma source(%dma_start3A_63 : memref<2048x640xf32, #tpu.memory_space<vmem>>) target(%dma_start3A_59 : memref<2048x640xf32, #tpu.memory_space<any>>) target_semaphore(%dma_start3A_56 : memref<!tpu.dma_semaphore, #tpu.memory_space<semaphore_mem>>)
      %reduce_min3A = arith.constant dense<0x7F800000> : vector<640xf32>
      %reduce_min3A_64 = vector.multi_reduction <minimumf>, %add3A_48, %reduce_min3A [0] : vector<2048x640xf32> to vector<640xf32>
      %broadcast_in_dim3A = vector.shape_cast %reduce_min3A_64 : vector<640xf32> to vector<1x640xf32>
      %iota3A = tpu.iota {dimensions = array<i32: 0>} : vector<2048x640xi32>
      %mul3A_65 = arith.constant 2048 : i32
      %mul3A_66 = arith.muli %arg1, %mul3A_65 : i32
      %add3A_67 = vector.broadcast %mul3A_66 : i32 to vector<2048x640xi32>
      %add3A_68 = arith.addi %iota3A, %add3A_67 : vector<2048x640xi32>
      %eq3A_69 = vector.broadcast %broadcast_in_dim3A : vector<1x640xf32> to vector<2048x640xf32>
      %eq3A_70 = arith.cmpf oeq, %add3A_48, %eq3A_69 : vector<2048x640xf32>
      %jit3A_71 = arith.constant 1073741824 : i32
      %broadcast_in_dim3A_72 = vector.broadcast %jit3A_71 : i32 to vector<2048x640xi32>
      %select_n3A = arith.select %eq3A_70, %add3A_68, %broadcast_in_dim3A_72 : vector<2048x640xi1>, vector<2048x640xi32>
      %reduce_min3A_73 = arith.constant dense<2147483647> : vector<640xi32>
      %reduce_min3A_74 = vector.multi_reduction <minsi>, %select_n3A, %reduce_min3A_73 [0] : vector<2048x640xi32> to vector<640xi32>
      %broadcast_in_dim3A_75 = vector.shape_cast %reduce_min3A_74 : vector<640xi32> to vector<1x640xi32>
      %eq3A_76 = arith.constant 0 : i32
      %eq3A_77 = arith.cmpi eq, %arg1, %eq3A_76 : i32
      %convert_element_type3A_78 = arith.extui %eq3A_77 : i1 to i32
      %cond3A_79 = arith.constant 0 : i32
      %cond3A_80 = arith.cmpi ne, %convert_element_type3A_78, %cond3A_79 : i32
      scf.if %cond3A_80 {
        %swap3A_90 = arith.constant 0 : index
        %swap3A_91 = arith.constant 0 : index
        %swap3A_92 = vector.load %arg10[%swap3A_90, %swap3A_91] : memref<1x640xf32, #tpu.memory_space<vmem>>, vector<1x640xf32>
        tpu.vector_store %arg10[%swap3A_90, %swap3A_91], %broadcast_in_dim3A {strides = array<i32>} : memref<1x640xf32, #tpu.memory_space<vmem>>, vector<1x640xf32>,
        %swap3A_93 = arith.constant 0 : index
        %swap3A_94 = arith.constant 0 : index
        %swap3A_95 = vector.load %arg11[%swap3A_93, %swap3A_94] : memref<1x640xi32, #tpu.memory_space<vmem>>, vector<1x640xi32>
        tpu.vector_store %arg11[%swap3A_93, %swap3A_94], %broadcast_in_dim3A_75 {strides = array<i32>} : memref<1x640xi32, #tpu.memory_space<vmem>>, vector<1x640xi32>,
      } else {
      }
      %ne3A = arith.constant 0 : i32
      %ne3A_81 = arith.cmpi ne, %arg1, %ne3A : i32
      %convert_element_type3A_82 = arith.extui %ne3A_81 : i1 to i32
      %cond3A_83 = arith.constant 0 : i32
      %cond3A_84 = arith.cmpi ne, %convert_element_type3A_82, %cond3A_83 : i32
      scf.if %cond3A_84 {
        %get3A_90 = arith.constant 0 : index
        %get3A_91 = arith.constant 0 : index
        %get3A_92 = vector.load %arg10[%get3A_90, %get3A_91] : memref<1x640xf32, #tpu.memory_space<vmem>>, vector<1x640xf32>
        %get3A_93 = arith.constant 0 : index
        %get3A_94 = arith.constant 0 : index
        %get3A_95 = vector.load %arg11[%get3A_93, %get3A_94] : memref<1x640xi32, #tpu.memory_space<vmem>>, vector<1x640xi32>
        %lt3A_96 = arith.cmpf olt, %broadcast_in_dim3A, %get3A_92 : vector<1x640xf32>
        %select_n3A_97 = arith.select %lt3A_96, %broadcast_in_dim3A, %get3A_92 : vector<1x640xi1>, vector<1x640xf32>
        %swap3A_98 = arith.constant 0 : index
        %swap3A_99 = arith.constant 0 : index
        %swap3A_100 = vector.load %arg10[%swap3A_98, %swap3A_99] : memref<1x640xf32, #tpu.memory_space<vmem>>, vector<1x640xf32>
        tpu.vector_store %arg10[%swap3A_98, %swap3A_99], %select_n3A_97 {strides = array<i32>} : memref<1x640xf32, #tpu.memory_space<vmem>>, vector<1x640xf32>,
        %select_n3A_101 = arith.select %lt3A_96, %broadcast_in_dim3A_75, %get3A_95 : vector<1x640xi1>, vector<1x640xi32>
        %swap3A_102 = arith.constant 0 : index
        %swap3A_103 = arith.constant 0 : index
        %swap3A_104 = vector.load %arg11[%swap3A_102, %swap3A_103] : memref<1x640xi32, #tpu.memory_space<vmem>>, vector<1x640xi32>
        tpu.vector_store %arg11[%swap3A_102, %swap3A_103], %select_n3A_101 {strides = array<i32>} : memref<1x640xi32, #tpu.memory_space<vmem>>, vector<1x640xi32>,
      } else {
      }
      %eq3A_85 = arith.constant 3 : i32
      %eq3A_86 = arith.cmpi eq, %arg1, %eq3A_85 : i32
      %convert_element_type3A_87 = arith.extui %eq3A_86 : i1 to i32
      %cond3A_88 = arith.constant 0 : i32
      %cond3A_89 = arith.cmpi ne, %convert_element_type3A_87, %cond3A_88 : i32
      scf.if %cond3A_89 {
        %get3A_90 = arith.constant 0 : index
        %get3A_91 = arith.constant 0 : index
        %get3A_92 = vector.load %arg11[%get3A_90, %get3A_91] : memref<1x640xi32, #tpu.memory_space<vmem>>, vector<1x576xi32>
        %swap3A_93 = arith.constant 0 : index
        %swap3A_94 = arith.constant 0 : index
        %swap3A_95 = arith.constant 0 : index
        %swap3A_96 = vector.load %arg7[%swap3A_93, %swap3A_94, %swap3A_95] : memref<1x1x576xi32, #tpu.memory_space<vmem>>, vector<1x1x576xi32>
        %swap3A_97 = vector.shape_cast %swap3A_96 : vector<1x1x576xi32> to vector<1x576xi32>
        %swap3A_98 = vector.shape_cast %get3A_92 : vector<1x576xi32> to vector<1x1x576xi32>
        tpu.vector_store %arg7[%swap3A_93, %swap3A_94, %swap3A_95], %swap3A_98 {strides = array<i32>} : memref<1x1x576xi32, #tpu.memory_space<vmem>>, vector<1x1x576xi32>,
        %get3A_99 = arith.constant 0 : index
        %get3A_100 = arith.constant 0 : index
        %get3A_101 = vector.load %arg10[%get3A_99, %get3A_100] : memref<1x640xf32, #tpu.memory_space<vmem>>, vector<1x576xf32>
        %swap3A_102 = arith.constant 0 : index
        %swap3A_103 = arith.constant 0 : index
        %swap3A_104 = arith.constant 0 : index
        %swap3A_105 = vector.load %arg8[%swap3A_102, %swap3A_103, %swap3A_104] : memref<1x1x576xf32, #tpu.memory_space<vmem>>, vector<1x1x576xf32>
        %swap3A_106 = vector.shape_cast %swap3A_105 : vector<1x1x576xf32> to vector<1x576xf32>
        %swap3A_107 = vector.shape_cast %get3A_101 : vector<1x576xf32> to vector<1x1x576xf32>
        tpu.vector_store %arg8[%swap3A_102, %swap3A_103, %swap3A_104], %swap3A_107 {strides = array<i32>} : memref<1x1x576xf32, #tpu.memory_space<vmem>>, vector<1x1x576xf32>,
      } else {
      }
    } else {
    }
    %ge3A = arith.constant 4 : i32
    %ge3A_2 = arith.cmpi sge, %arg1, %ge3A : i32
    %convert_element_type3A_3 = arith.extui %ge3A_2 : i1 to i32
    %cond3A_4 = arith.constant 0 : i32
    %cond3A_5 = arith.cmpi ne, %convert_element_type3A_3, %cond3A_4 : i32
    scf.if %cond3A_5 {
      %sub3A = arith.constant 4 : i32
      %sub3A_12 = arith.subi %arg1, %sub3A : i32
      %rem3A = arith.constant 2 : i32
      %rem3A_13 = arith.remsi %sub3A_12, %rem3A : i32
      %gt3A = arith.constant 0 : i32
      %gt3A_14 = arith.cmpi sgt, %arg0, %gt3A : i32
      %ge3A_15 = arith.constant 2 : i32
      %ge3A_16 = arith.cmpi sge, %sub3A_12, %ge3A_15 : i32
      %or3A = arith.ori %gt3A_14, %ge3A_16 : i1
      %convert_element_type3A_17 = arith.extui %or3A : i1 to i32
      %cond3A_18 = arith.constant 0 : i32
      %cond3A_19 = arith.cmpi ne, %convert_element_type3A_17, %cond3A_18 : i32
      scf.if %cond3A_19 {
        %mul3A_43 = arith.constant 2048 : i32
        %mul3A_44 = arith.muli %sub3A_12, %mul3A_43 : i32
        %dma_wait3A = tpu.memref_slice %arg15[%rem3A_13] : memref<2x!tpu.dma_semaphore, #tpu.memory_space<semaphore_mem>> -> memref<1x!tpu.dma_semaphore, #tpu.memory_space<semaphore_mem>>
        %dma_wait3A_45 = tpu.memref_squeeze %dma_wait3A : memref<1x!tpu.dma_semaphore, #tpu.memory_space<semaphore_mem>> -> memref<!tpu.dma_semaphore, #tpu.memory_space<semaphore_mem>>
        %dma_wait3A_46 = arith.constant 0 : i32
        %dma_wait3A_47 = tpu.memref_slice %arg9[%arg0, %mul3A_44, %dma_wait3A_46] : memref<32x8192x640xf32, #tpu.memory_space<any>> -> memref<1x2048x640xf32, #tpu.memory_space<any>>
        %dma_wait3A_48 = tpu.memref_squeeze %dma_wait3A_47 : memref<1x2048x640xf32, #tpu.memory_space<any>> -> memref<2048x640xf32, #tpu.memory_space<any>>
        %dma_wait3A_49 = arith.constant 0 : i32
        %dma_wait3A_50 = arith.constant 0 : i32
        %dma_wait3A_51 = tpu.memref_slice %arg13[%rem3A_13, %dma_wait3A_49, %dma_wait3A_50] : memref<2x2048x640xf32, #tpu.memory_space<vmem>> -> memref<1x2048x640xf32, #tpu.memory_space<vmem>>
        %dma_wait3A_52 = tpu.memref_squeeze %dma_wait3A_51 : memref<1x2048x640xf32, #tpu.memory_space<vmem>> -> memref<2048x640xf32, #tpu.memory_space<vmem>>
        tpu.wait_dma2 semaphore(%dma_wait3A_45 : memref<!tpu.dma_semaphore, #tpu.memory_space<semaphore_mem>>) src(%dma_wait3A_52 : memref<2048x640xf32, #tpu.memory_space<vmem>>) dst(%dma_wait3A_48 : memref<2048x640xf32, #tpu.memory_space<any>>)
      } else {
      }
      %iota3A = tpu.iota {dimensions = array<i32: 0>} : vector<2048x640xi32>
      %mul3A = arith.constant 2048 : i32
      %mul3A_20 = arith.muli %sub3A_12, %mul3A : i32
      %add3A = vector.broadcast %mul3A_20 : i32 to vector<2048x640xi32>
      %add3A_21 = arith.addi %iota3A, %add3A : vector<2048x640xi32>
      %get3A = arith.constant 0 : index
      %get3A_22 = arith.constant 0 : index
      %get3A_23 = vector.load %arg11[%get3A, %get3A_22] : memref<1x640xi32, #tpu.memory_space<vmem>>, vector<1x640xi32>
      %eq3A_24 = vector.broadcast %get3A_23 : vector<1x640xi32> to vector<2048x640xi32>
      %eq3A_25 = arith.cmpi eq, %add3A_21, %eq3A_24 : vector<2048x640xi32>
      %convert_element_type3A_26 = arith.extui %eq3A_25 : vector<2048x640xi1> to vector<2048x640xi32>
      %convert_element_type3A_27 = arith.sitofp %convert_element_type3A_26 : vector<2048x640xi32> to vector<2048x640xf32>
      %swap3A = arith.index_cast %rem3A_13 : i32 to index
      %swap3A_28 = arith.constant 0 : index
      %swap3A_29 = arith.constant 0 : index
      %swap3A_30 = vector.load %arg13[%swap3A, %swap3A_28, %swap3A_29] : memref<2x2048x640xf32, #tpu.memory_space<vmem>>, vector<1x2048x640xf32>
      %swap3A_31 = vector.shape_cast %swap3A_30 : vector<1x2048x640xf32> to vector<2048x640xf32>
      %swap3A_32 = vector.shape_cast %convert_element_type3A_27 : vector<2048x640xf32> to vector<1x2048x640xf32>
      tpu.vector_store %arg13[%swap3A, %swap3A_28, %swap3A_29], %swap3A_32 {strides = array<i32>} : memref<2x2048x640xf32, #tpu.memory_space<vmem>>, vector<1x2048x640xf32>,
      %mul3A_33 = arith.constant 2048 : i32
      %mul3A_34 = arith.muli %sub3A_12, %mul3A_33 : i32
      %dma_start3A = tpu.memref_slice %arg15[%rem3A_13] : memref<2x!tpu.dma_semaphore, #tpu.memory_space<semaphore_mem>> -> memref<1x!tpu.dma_semaphore, #tpu.memory_space<semaphore_mem>>
      %dma_start3A_35 = tpu.memref_squeeze %dma_start3A : memref<1x!tpu.dma_semaphore, #tpu.memory_space<semaphore_mem>> -> memref<!tpu.dma_semaphore, #tpu.memory_space<semaphore_mem>>
      %dma_start3A_36 = arith.constant 0 : i32
      %dma_start3A_37 = tpu.memref_slice %arg9[%arg0, %mul3A_34, %dma_start3A_36] : memref<32x8192x640xf32, #tpu.memory_space<any>> -> memref<1x2048x640xf32, #tpu.memory_space<any>>
      %dma_start3A_38 = tpu.memref_squeeze %dma_start3A_37 : memref<1x2048x640xf32, #tpu.memory_space<any>> -> memref<2048x640xf32, #tpu.memory_space<any>>
      %dma_start3A_39 = arith.constant 0 : i32
      %dma_start3A_40 = arith.constant 0 : i32
      %dma_start3A_41 = tpu.memref_slice %arg13[%rem3A_13, %dma_start3A_39, %dma_start3A_40] : memref<2x2048x640xf32, #tpu.memory_space<vmem>> -> memref<1x2048x640xf32, #tpu.memory_space<vmem>>
      %dma_start3A_42 = tpu.memref_squeeze %dma_start3A_41 : memref<1x2048x640xf32, #tpu.memory_space<vmem>> -> memref<2048x640xf32, #tpu.memory_space<vmem>>
      tpu.enqueue_dma source(%dma_start3A_42 : memref<2048x640xf32, #tpu.memory_space<vmem>>) target(%dma_start3A_38 : memref<2048x640xf32, #tpu.memory_space<any>>) target_semaphore(%dma_start3A_35 : memref<!tpu.dma_semaphore, #tpu.memory_space<semaphore_mem>>)
    } else {
    }
    %eq3A = arith.constant 31 : i32
    %eq3A_6 = arith.cmpi eq, %arg0, %eq3A : i32
    %eq3A_7 = arith.constant 7 : i32
    %eq3A_8 = arith.cmpi eq, %arg1, %eq3A_7 : i32
    %and3A = arith.andi %eq3A_6, %eq3A_8 : i1
    %convert_element_type3A_9 = arith.extui %and3A : i1 to i32
    %cond3A_10 = arith.constant 0 : i32
    %cond3A_11 = arith.cmpi ne, %convert_element_type3A_9, %cond3A_10 : i32
    scf.if %cond3A_11 {
      %dma_wait3A = arith.constant 0 : i32
      %dma_wait3A_12 = arith.constant 31 : i32
      %dma_wait3A_13 = arith.constant 0 : i32
      %dma_wait3A_14 = tpu.memref_slice %arg14[%dma_wait3A_13] : memref<2x!tpu.dma_semaphore, #tpu.memory_space<semaphore_mem>> -> memref<1x!tpu.dma_semaphore, #tpu.memory_space<semaphore_mem>>
      %dma_wait3A_15 = tpu.memref_squeeze %dma_wait3A_14 : memref<1x!tpu.dma_semaphore, #tpu.memory_space<semaphore_mem>> -> memref<!tpu.dma_semaphore, #tpu.memory_space<semaphore_mem>>
      %dma_wait3A_16 = arith.constant 4096 : i32
      %dma_wait3A_17 = arith.constant 0 : i32
      %dma_wait3A_18 = tpu.memref_slice %arg6[%dma_wait3A_12, %dma_wait3A_16, %dma_wait3A_17] : memref<32x8192x640xf32, #tpu.memory_space<any>> -> memref<1x2048x640xf32, #tpu.memory_space<any>>
      %dma_wait3A_19 = tpu.memref_squeeze %dma_wait3A_18 : memref<1x2048x640xf32, #tpu.memory_space<any>> -> memref<2048x640xf32, #tpu.memory_space<any>>
      %dma_wait3A_20 = arith.constant 0 : i32
      %dma_wait3A_21 = arith.constant 0 : i32
      %dma_wait3A_22 = tpu.memref_slice %arg12[%dma_wait3A, %dma_wait3A_20, %dma_wait3A_21] : memref<2x2048x640xf32, #tpu.memory_space<vmem>> -> memref<1x2048x640xf32, #tpu.memory_space<vmem>>
      %dma_wait3A_23 = tpu.memref_squeeze %dma_wait3A_22 : memref<1x2048x640xf32, #tpu.memory_space<vmem>> -> memref<2048x640xf32, #tpu.memory_space<vmem>>
      tpu.wait_dma2 semaphore(%dma_wait3A_15 : memref<!tpu.dma_semaphore, #tpu.memory_space<semaphore_mem>>) src(%dma_wait3A_23 : memref<2048x640xf32, #tpu.memory_space<vmem>>) dst(%dma_wait3A_19 : memref<2048x640xf32, #tpu.memory_space<any>>)
      %dma_wait3A_24 = arith.constant 0 : i32
      %dma_wait3A_25 = arith.constant 31 : i32
      %dma_wait3A_26 = arith.constant 0 : i32
      %dma_wait3A_27 = tpu.memref_slice %arg15[%dma_wait3A_26] : memref<2x!tpu.dma_semaphore, #tpu.memory_space<semaphore_mem>> -> memref<1x!tpu.dma_semaphore, #tpu.memory_space<semaphore_mem>>
      %dma_wait3A_28 = tpu.memref_squeeze %dma_wait3A_27 : memref<1x!tpu.dma_semaphore, #tpu.memory_space<semaphore_mem>> -> memref<!tpu.dma_semaphore, #tpu.memory_space<semaphore_mem>>
      %dma_wait3A_29 = arith.constant 4096 : i32
      %dma_wait3A_30 = arith.constant 0 : i32
      %dma_wait3A_31 = tpu.memref_slice %arg9[%dma_wait3A_25, %dma_wait3A_29, %dma_wait3A_30] : memref<32x8192x640xf32, #tpu.memory_space<any>> -> memref<1x2048x640xf32, #tpu.memory_space<any>>
      %dma_wait3A_32 = tpu.memref_squeeze %dma_wait3A_31 : memref<1x2048x640xf32, #tpu.memory_space<any>> -> memref<2048x640xf32, #tpu.memory_space<any>>
      %dma_wait3A_33 = arith.constant 0 : i32
      %dma_wait3A_34 = arith.constant 0 : i32
      %dma_wait3A_35 = tpu.memref_slice %arg13[%dma_wait3A_24, %dma_wait3A_33, %dma_wait3A_34] : memref<2x2048x640xf32, #tpu.memory_space<vmem>> -> memref<1x2048x640xf32, #tpu.memory_space<vmem>>
      %dma_wait3A_36 = tpu.memref_squeeze %dma_wait3A_35 : memref<1x2048x640xf32, #tpu.memory_space<vmem>> -> memref<2048x640xf32, #tpu.memory_space<vmem>>
      tpu.wait_dma2 semaphore(%dma_wait3A_28 : memref<!tpu.dma_semaphore, #tpu.memory_space<semaphore_mem>>) src(%dma_wait3A_36 : memref<2048x640xf32, #tpu.memory_space<vmem>>) dst(%dma_wait3A_32 : memref<2048x640xf32, #tpu.memory_space<any>>)
      %dma_wait3A_37 = arith.constant 1 : i32
      %dma_wait3A_38 = arith.constant 31 : i32
      %dma_wait3A_39 = arith.constant 1 : i32
      %dma_wait3A_40 = tpu.memref_slice %arg14[%dma_wait3A_39] : memref<2x!tpu.dma_semaphore, #tpu.memory_space<semaphore_mem>> -> memref<1x!tpu.dma_semaphore, #tpu.memory_space<semaphore_mem>>
      %dma_wait3A_41 = tpu.memref_squeeze %dma_wait3A_40 : memref<1x!tpu.dma_semaphore, #tpu.memory_space<semaphore_mem>> -> memref<!tpu.dma_semaphore, #tpu.memory_space<semaphore_mem>>
      %dma_wait3A_42 = arith.constant 6144 : i32
      %dma_wait3A_43 = arith.constant 0 : i32
      %dma_wait3A_44 = tpu.memref_slice %arg6[%dma_wait3A_38, %dma_wait3A_42, %dma_wait3A_43] : memref<32x8192x640xf32, #tpu.memory_space<any>> -> memref<1x2048x640xf32, #tpu.memory_space<any>>
      %dma_wait3A_45 = tpu.memref_squeeze %dma_wait3A_44 : memref<1x2048x640xf32, #tpu.memory_space<any>> -> memref<2048x640xf32, #tpu.memory_space<any>>
      %dma_wait3A_46 = arith.constant 0 : i32
      %dma_wait3A_47 = arith.constant 0 : i32
      %dma_wait3A_48 = tpu.memref_slice %arg12[%dma_wait3A_37, %dma_wait3A_46, %dma_wait3A_47] : memref<2x2048x640xf32, #tpu.memory_space<vmem>> -> memref<1x2048x640xf32, #tpu.memory_space<vmem>>
      %dma_wait3A_49 = tpu.memref_squeeze %dma_wait3A_48 : memref<1x2048x640xf32, #tpu.memory_space<vmem>> -> memref<2048x640xf32, #tpu.memory_space<vmem>>
      tpu.wait_dma2 semaphore(%dma_wait3A_41 : memref<!tpu.dma_semaphore, #tpu.memory_space<semaphore_mem>>) src(%dma_wait3A_49 : memref<2048x640xf32, #tpu.memory_space<vmem>>) dst(%dma_wait3A_45 : memref<2048x640xf32, #tpu.memory_space<any>>)
      %dma_wait3A_50 = arith.constant 1 : i32
      %dma_wait3A_51 = arith.constant 31 : i32
      %dma_wait3A_52 = arith.constant 1 : i32
      %dma_wait3A_53 = tpu.memref_slice %arg15[%dma_wait3A_52] : memref<2x!tpu.dma_semaphore, #tpu.memory_space<semaphore_mem>> -> memref<1x!tpu.dma_semaphore, #tpu.memory_space<semaphore_mem>>
      %dma_wait3A_54 = tpu.memref_squeeze %dma_wait3A_53 : memref<1x!tpu.dma_semaphore, #tpu.memory_space<semaphore_mem>> -> memref<!tpu.dma_semaphore, #tpu.memory_space<semaphore_mem>>
      %dma_wait3A_55 = arith.constant 6144 : i32
      %dma_wait3A_56 = arith.constant 0 : i32
      %dma_wait3A_57 = tpu.memref_slice %arg9[%dma_wait3A_51, %dma_wait3A_55, %dma_wait3A_56] : memref<32x8192x640xf32, #tpu.memory_space<any>> -> memref<1x2048x640xf32, #tpu.memory_space<any>>
      %dma_wait3A_58 = tpu.memref_squeeze %dma_wait3A_57 : memref<1x2048x640xf32, #tpu.memory_space<any>> -> memref<2048x640xf32, #tpu.memory_space<any>>
      %dma_wait3A_59 = arith.constant 0 : i32
      %dma_wait3A_60 = arith.constant 0 : i32
      %dma_wait3A_61 = tpu.memref_slice %arg13[%dma_wait3A_50, %dma_wait3A_59, %dma_wait3A_60] : memref<2x2048x640xf32, #tpu.memory_space<vmem>> -> memref<1x2048x640xf32, #tpu.memory_space<vmem>>
      %dma_wait3A_62 = tpu.memref_squeeze %dma_wait3A_61 : memref<1x2048x640xf32, #tpu.memory_space<vmem>> -> memref<2048x640xf32, #tpu.memory_space<vmem>>
      tpu.wait_dma2 semaphore(%dma_wait3A_54 : memref<!tpu.dma_semaphore, #tpu.memory_space<semaphore_mem>>) src(%dma_wait3A_62 : memref<2048x640xf32, #tpu.memory_space<vmem>>) dst(%dma_wait3A_58 : memref<2048x640xf32, #tpu.memory_space<any>>)
    } else {
    }
    return
  }
  func.func @transform_0(%arg0: i32, %arg1: i32) -> (i32, i32, i32) {
    %c0_i32 = arith.constant 0 : i32
    %c0_i32_0 = arith.constant 0 : i32
    %c0_i32_1 = arith.constant 0 : i32
    return %arg0, %c0_i32, %c0_i32_0 : i32, i32, i32
  }
  func.func @transform_1(%arg0: i32, %arg1: i32) -> (i32, i32) {
    %c0_i32 = arith.constant 0 : i32
    %c0_i32_0 = arith.constant 0 : i32
    %c0_i32_1 = arith.constant 0 : i32
    return %c0_i32, %c0_i32_0 : i32, i32
  }
  func.func @transform_2(%arg0: i32, %arg1: i32) -> (i32, i32) {
    %c0_i32 = arith.constant 0 : i32
    %c0_i32_0 = arith.constant 0 : i32
    %c0_i32_1 = arith.constant 0 : i32
    return %c0_i32, %c0_i32_0 : i32, i32
  }
  func.func @transform_3(%arg0: i32, %arg1: i32) -> (i32, i32, i32) {
    %c0_i32 = arith.constant 0 : i32
    %c0_i32_0 = arith.constant 0 : i32
    %c0_i32_1 = arith.constant 0 : i32
    return %arg0, %c0_i32, %c0_i32_0 : i32, i32, i32
  }
  func.func @transform_5(%arg0: i32, %arg1: i32) -> (i32, i32, i32) {
    %c0_i32 = arith.constant 0 : i32
    %c0_i32_0 = arith.constant 0 : i32
    %c0_i32_1 = arith.constant 0 : i32
    return %arg0, %c0_i32, %c0_i32_0 : i32, i32, i32
  }
  func.func @transform_6(%arg0: i32, %arg1: i32) -> (i32, i32, i32) {
    %c0_i32 = arith.constant 0 : i32
    %c0_i32_0 = arith.constant 0 : i32
    %c0_i32_1 = arith.constant 0 : i32
    return %arg0, %c0_i32, %c0_i32_0 : i32, i32, i32
  }
}

</mosaic_0001>

<sc_bundles>
// kernel: kernel.4.cloned.1.call-start
scs
__scs_entry_jumppad:
0x0: {  	(pc) =	sbr.rel $0x88, $3  }
0x1: {  	(tag) =	ssettag $0x0;
	lr =	simm.s32 $0x1  }
0x2: {  	[smem:$0x3F9F] =	sst lr;
	_ =	strace $0xD0000000  }
0x3: {  	_ = 	snop  }
0x4: {  	_ = 	snop  }
0x5: {  	_ = 	snop  }
0x6: {  	_ = 	snop  }
0x7: {  	_ = 	snop  }
__scs_overlays_trampoline_lowered:
0x8: {  	[smem:$0x3FAE] =	sst s0  }
0x9: {  	[smem:$0x3FAF] =	sst s1  }
0xa: {  	[smem:$0x3FB0] =	sst s2  }
0xb: {  	[smem:$0x3FB1] =	sst s3  }
0xc: {  	[smem:$0x3FB2] =	sst s4  }
0xd: {  	[smem:$0x3FB3] =	sst s5  }
0xe: {  	[smem:$0x3FB4] =	sst s6  }
0xf: {  	[smem:$0x3FB5] =	sst s7  }
0x10: {  	[smem:$0x3FB6] =	sst s8  }
0x11: {  	[smem:$0x3FB7] =	sst s9;
	s0 =	simm.s32 @!p0 $0x0  }
0x12: {  	s1 =	sld [smem:$0x3F9D];
	s0 =	simm.s32 @p0 $0x1  }
0x13: {  	[smem:$0x3FB8] =	sst s0;
	s0 =	simm.s32 @!p1 $0x0  }
0x14: {  	s2 =	sld [smem:$0x3F9C];
	s0 =	simm.s32 @p1 $0x1  }
0x15: {  	[smem:$0x3FB9] =	sst s0;
	s0 =	simm.s32 @!p2 $0x0  }
0x16: {  	s3 =	sld [smem:$0x3FDB];
	s0 =	simm.s32 @p2 $0x1  }
0x17: {  	s4 =	simm.s32 $0x1BF5;
	[smem:$0x3FBB] =	sst s0  }
0x18: {  	s0 =	sld [smem:$0x3F9E];
	_ =	swait.ge [sflag:s4], $0x0  }
0x19: {  	s7 =	sld [smem:$0x3F9F]  }
0x1a: {  	s8 =	sadd.s32 $0xFFFFE003, lr  }
0x1b: {  	s9 =	sadd.s32 $0xFFFFFEF7, lr;
	s5 =	simm.s32 $0xFFFFFFFF;
	p2 =	slt.u32 s8, $0xFFFFF086  }
0x1c: {  	p1 =	slt.u32 s9, $0xF7A;
	s5 =	simm.s32 @!p2 $0x0  }
0x1d: {  	s5 =	simm.s32 @p1 $0x1;
	p0 =	seq.s32 s7, s2  }
0x1e: {  	s7 =	smul.u32 @!p0 $0xF7A, s2;
	p2 =	seq.s32 @!p0 s5, $0x0  }
0x1f: {  	s9 =	smul.u32 $0xF7A, s1;
	s8 =	simm.s32 @!p0 $0x1BF5;
	p2 =	por !p2, p0  }
0x20: {  	[sflag:s8] =	ssyncset.s32 @!p0 $0xFFFFF086;
	s6 =	sadd.s32 @!p0 s3, s7;
	s7 =	simm.s32 @!p0 $0x108  }
0x21: {  	s3 =	sadd.s32 s3, s9;
	s6 =	sadd.s32 @!p0 $0x88, s6;
	s7 =	simm.s32 @p2 $0x1082  }
0x22: {  	[simem:s7], [sflag:s8] =	dma.local @!p0 [hbm:s6], $0xF7A  }
0x23: {  	s9 =	sor.u32 $0xD0000000, s2;
	s6 =	simm.s32 $0x108;
	_ =	swait.ge @!p0 [sflag:s8], $0x0  }
0x24: {  	s3 =	sadd.s32 $0x88, s3;
	s6 =	simm.s32 @!p1 $0x1082;
	[sflag:s4] =	ssyncset.s32 $0xFFFFF086  }
0x25: {  	[simem:s6], [sflag:s4] =	dma.local [hbm:s3], $0xF7A  }
0x26: {  	[smem:$0x3F9F] =	sst s1;
	(tag) =	ssettag s2;
	_ =	strace s9  }
0x27: {  	s1 =	sld [smem:$0x3FAF]  }
0x28: {  	s2 =	sld [smem:$0x3FB0]  }
0x29: {  	s4 =	sld [smem:$0x3FB2]  }
0x2a: {  	p0 =	seq.s32 s5, $0x0;
	s5 =	sld [smem:$0x3FB3]  }
0x2b: {  	s6 =	sld [smem:$0x3FB4]  }
0x2c: {  	s7 =	sld [smem:$0x3FB5]  }
0x2d: {  	s3 =	simm.s32 $0x108;
	s8 =	sld [smem:$0x3FB6]  }
0x2e: {  	s3 =	simm.s32 @!p0 $0x1082;
	s9 =	sld [smem:$0x3FB7]  }
0x2f: {  	lr =	sadd.s32 s0, s3;
	s0 =	sld [smem:$0x3FAE]  }
0x30: {  	s3 =	sld [smem:$0x3FB1]  }
0x31: {  	[smem:$0x3FBA] =	sst s10  }
0x32: {  	s10 =	sld [smem:$0x3FB8];
	_ =	sdelay $0x3  }
0x33: {  	p0 =	seq.s32 s10, $0x1;
	s10 =	sld [smem:$0x3FBA];
	_ =	sdelay $0x3  }
0x34: {  	[smem:$0x3FBA] =	sst s10  }
0x35: {  	s10 =	sld [smem:$0x3FB9];
	_ =	sdelay $0x3  }
0x36: {  	p1 =	seq.s32 s10, $0x1;
	s10 =	sld [smem:$0x3FBA];
	_ =	sdelay $0x3  }
0x37: {  	[smem:$0x3FBA] =	sst s10  }
0x38: {  	s10 =	sld [smem:$0x3FBB]  }
0x39: {  	_ = 	snop;
	(pc) =	sbr.ind lr, $3  }
0x3a: {  	_ = 	snop  }
0x3b: {  	_ = 	snop  }
0x3c: {  	p2 =	seq.s32 s10, $0x1;
	s10 =	sld [smem:$0x3FBA]  }
0x3d: {  	_ =	shalt  }
0x3e: {  	_ =	shalt  }
0x3f: {  	_ =	shalt  }
0x40: {  	_ =	shalt  }
0x41: {  	_ =	shalt  }
0x42: {  	_ =	shalt  }
0x43: {  	_ =	shalt  }
0x44: {  	_ =	shalt  }
0x45: {  	_ =	shalt  }
0x46: {  	_ =	shalt  }
0x47: {  	_ =	shalt  }
0x48: {  	_ =	shalt  }
0x49: {  	_ =	shalt  }
0x4a: {  	_ =	shalt  }
0x4b: {  	_ =	shalt  }
0x4c: {  	_ =	shalt  }
0x4d: {  	_ =	shalt  }
0x4e: {  	_ =	shalt  }
0x4f: {  	_ =	shalt  }
0x50: {  	_ =	shalt  }
0x51: {  	_ =	shalt  }
0x52: {  	_ =	shalt  }
0x53: {  	_ =	shalt  }
0x54: {  	_ =	shalt  }
0x55: {  	_ =	shalt  }
0x56: {  	_ =	shalt  }
0x57: {  	_ =	shalt  }
0x58: {  	_ =	shalt  }
0x59: {  	_ =	shalt  }
0x5a: {  	_ =	shalt  }
0x5b: {  	_ =	shalt  }
0x5c: {  	_ =	shalt  }
0x5d: {  	_ =	shalt  }
0x5e: {  	_ =	shalt  }
0x5f: {  	_ =	shalt  }
0x60: {  	_ =	shalt  }
0x61: {  	_ =	shalt  }
0x62: {  	_ =	shalt  }
0x63: {  	_ =	shalt  }
0x64: {  	_ =	shalt  }
0x65: {  	_ =	shalt  }
0x66: {  	_ =	shalt  }
0x67: {  	_ =	shalt  }
0x68: {  	_ =	shalt  }
0x69: {  	_ =	shalt  }
0x6a: {  	_ =	shalt  }
0x6b: {  	_ =	shalt  }
0x6c: {  	_ =	shalt  }
0x6d: {  	_ =	shalt  }
0x6e: {  	_ =	shalt  }
0x6f: {  	_ =	shalt  }
0x70: {  	_ =	shalt  }
0x71: {  	_ =	shalt  }
0x72: {  	_ =	shalt  }
0x73: {  	_ =	shalt  }
0x74: {  	_ =	shalt  }
0x75: {  	_ =	shalt  }
0x76: {  	_ =	shalt  }
0x77: {  	_ =	shalt  }
0x78: {  	_ =	shalt  }
0x79: {  	_ =	shalt  }
0x7a: {  	_ =	shalt  }
0x7b: {  	_ =	shalt  }
0x7c: {  	_ =	shalt  }
0x7d: {  	_ =	shalt  }
0x7e: {  	_ =	shalt  }
0x7f: {  	_ =	shalt  }
0x80: {  	_ =	shalt  }
0x81: {  	_ =	shalt  }
0x82: {  	_ =	shalt  }
0x83: {  	_ =	shalt  }
0x84: {  	_ =	shalt  }
0x85: {  	_ =	shalt  }
0x86: {  	_ =	shalt  }
0x87: {  	_ =	shalt  }
.Lfunc_end0:
.L_simem_size_0:
called_computation.2_lowered:
.L_overlay_start_0:
0x88: {  	s2 =	sld [smem:$0x3FD9]  }
0x89: {  	s3 =	sld [smem:$0x3FFE];
	_ =	sdelay $0x1  }
0x8a: {  	s1 =	srdreg.scid  }
0x8b: {  	s0 =	sand.u32 $0x1, s1  }
0x8c: {  	s15 =	sshll.u32 s0, $0xA;
	s2 =	sadd.s32 s3, s2  }
0x8d: {  	s2 =	sadd.s32 s2, s15  }
0x8e: {  	[smem:$0x3FC6] =	sst s2  }
0x8f: {  	_ = 	snop  }
0x90: {  	s2 =	sld [smem:$0x3FD0];
	_ =	sdelay $0x2  }
0x91: {  	s4 =	simm.s32 $0xC;
	s16 =	simm.s32 $0x10  }
0x92: {  	[smem:s16], [sflag:s4] =	dma.local [hbm:s2], $0x1  }
0x93: {  	_ =	swait.eq [sflag:s4], $0x1  }
0x94: {  	[sflag:s4] =	ssyncset.done $0x0  }
0x95: {  	s17 =	sld [smem:$0x10];
	[sflag:s4] =	ssyncadd.s32 $0xFFFFFFFF  }
0x96: {  	s18 =	sld [smem:$0x16];
	(tm) =	ssettm $0x1  }
0x97: {  	s19 =	sld [smem:$0x3FFB];
	_ =	sdelay $0x3  }
0x98: {  	_ =	strace s19  }
0x99: {  	s2 =	sld [smem:$0x3FFC];
	_ =	sdelay $0x3  }
0x9a: {  	_ =	strace s2  }
0x9b: {  	s2 =	sld [smem:$0x3FFD];
	_ =	sdelay $0x3  }
0x9c: {  	_ =	strace s2  }
0x9d: {  	_ =	strace $0x8FFFFFFF  }
0x9e: {  	s20 =	sld [smem:$0x3FDB];
	_ =	sdelay $0x1  }
0x9f: {  	s5 =	simm.s32 $_scs_section_size  }
0xa0: {  	s6 =	simm.s32 $_size__tile_overlayer_lowered;
	s7 =	simm.s32 $_tile_overlayer_lowered  }
0xa1: {  	s8 =	simm.s32 $0x1BFF;
	s21 =	sshll.u32 s7, $0x1;
	s5 =	sadd.s32 s5, s20  }
0xa2: {  	s22 =	simm.s32 $0x0;
	s6 =	sshll.u32 s6, $0x1;
	s7 =	sadd.s32 s21, s5  }
0xa3: {  	[timem:s22], [sflag:s8] =	dma.local [hbm:s7], s6  }
0xa4: {  	_ =	swait.ge [sflag:s8], s6  }
0xa5: {  	s6 =	ssub.s32 $0x0, s6;
	[sflag:s8] =	ssyncset.done $0x0  }
0xa6: {  	[sflag:s8] =	ssyncadd.s32 s6;
	_ =	sdelay $0x1  }
0xa7: {  	s23 =	simm.s32 $0x1B8B  }
0xa8: {  	_ =	swait.ge [sflag:s23], $0x1  }
0xa9: {  	[sflag:s23] =	ssyncset.done $0x0  }
0xaa: {  	[sflag:s23] =	ssyncadd.s32 $0xFFFFFFFF  }
0xab: {  	s6 =	sld [smem:$0x0]  }
0xac: {  	s7 =	sand.u32 $0xFFFFFFFE, s1  }
0xad: {  	p0 =	sne.s32 s1, s7  }
0xae: {  	s7 =	sshll.u32 @p0 s7, $0xE  }
0xaf: {  	s7 =	sadd.s32 @p0 $0x11B8D, s7;
	s8 =	sshll.u32 @p0 s6, $0x11  }
0xb0: {  	s7 =	sor.u32 @p0 s8, s7  }
0xb1: {  	[sflag:s7] =	ssyncadd.remote.s32 @p0 $0x1;
	_ =	sdelay $0x1  }
0xb2: {  	s7 =	simm.s32 @p0 $0x1B8D  }
0xb3: {  	_ =	swait.eq @p0 [sflag:s7], $0x1  }
0xb4: {  	[sflag:s7] =	ssyncadd.s32 @p0 $0xFFFFFFFF  }
0xb5: {  	s8 =	sshll.u32 @!p0 s1, $0xE  }
0xb6: {  	s8 =	sor.u32 @!p0 $0x4000, s8;
	s7 =	simm.s32 @!p0 $0x1B8D  }
0xb7: {  	s6 =	sshll.u32 @!p0 s6, $0x11;
	s8 =	sadd.s32 @!p0 $0x11B8D, s8;
	_ =	swait.eq @!p0 [sflag:s7], $0x1  }
0xb8: {  	s6 =	sor.u32 @!p0 s6, s8;
	[sflag:s7] =	ssyncadd.s32 @!p0 $0xFFFFFFFF  }
0xb9: {  	s25 =	simm.s32 $0x1B8E;
	s24 =	sld [smem:$0x3FFE];
	[sflag:s6] =	ssyncadd.remote.s32 @!p0 $0x1  }
0xba: {  	s26 =	simm.s32 $execute0_lowered;
	[smem:$0x3FD2] =	sst s25  }
0xbb: {  	s7 =	sshll.u32 s26, $0x1;
	_ =	strace $0x8000004C;
	[dreg:$0x1] =	wrdreg $0xFFFFFFFF  }
0xbc: {  	s28 =	simm.s32 $_size_execute0_lowered;
	s5 =	sadd.s32 s5, s7;
	[dreg:$0x0] =	wrdreg $0x0  }
0xbd: {  	s7 =	sshll.u32 s28, $0x1;
	[dreg:$0x2] =	wrdreg s5  }
0xbe: {  	[dreg:$0x3] =	wrdreg s7  }
0xbf: {  	[dreg:$0x4] =	wrdreg $0xC0  }
0xc0: {  	_ =	task [dreg:s22], $0x5FFFF  }
0xc1: {  	[dreg:$0x1] =	wrdreg $0xFFFFFFFF  }
0xc2: {  	[dreg:$0x0] =	wrdreg $0x60  }
0xc3: {  	[dreg:$0x2] =	wrdreg s18  }
0xc4: {  	[dreg:$0x3] =	wrdreg s24  }
0xc5: {  	[dreg:$0x4] =	wrdreg s17  }
0xc6: {  	[dreg:$0x5] =	wrdreg $0xB  }
0xc7: {  	_ =	task.clear_ibuf [dreg:s22], $0x6FFFF;
	_ =	strace $0x9000004C  }
0xc8: {  	s29 =	simm.s32 $0xB;
	_ =	strace $0x8000004E  }
0xc9: {  	_ =	swait.ge [sflag:s29], $0x1  }
0xca: {  	[sflag:s29] =	ssyncadd.s32 $0xFFFFFFFF  }
0xcb: {  	_ =	strace $0x9000004E  }
0xcc: {  	_ =	sfence  }
0xcd: {  	s30 =	sld [smem:$0x0];
	_ =	sdelay $0x2  }
0xce: {  	s31 =	sshll.u32 s1, $0xD;
	s1 =	sshrl.u32 s1, $0x2  }
0xcf: {  	s4 =	sand.u32 $0x4000, s31;
	s1 =	sadd.s32 s1, s30  }
0xd0: {  	s0 =	sor.u32 s4, s0;
	s1 =	sshll.u32 s1, $0x11  }
0xd1: {  	s0 =	sor.u32 s1, s0  }
0xd2: {  	s0 =	sadd.s32 $0x8F2B, s0  }
0xd3: {  	[sflag:s0] =	ssyncadd.remote.s32 $0x1  }
0xd4: {  	_ =	sfence.sel $0xFFFF  }
0xd5: {  	[dreg:$0x0] =	wrdreg $0xFFFFFFFF;
	(pc) =	sbr.abs _section_cstart, $3  }
0xd6: {  	[dreg:$0x1] =	wrdreg $0xFFFFFFFF  }
0xd7: {  	_ =	task.clear_ibuf [dreg:s22], $0x2FFFF;
	_ =	strace $0x9FFFFFFF  }
0xd8: {  	(tm) =	ssettm $0x7FFFFFFF  }
0xd9: {  	_ =	shalt  }
tec
execute0_lowered:
.L_overlay_start_1:
0x0: {  	(tag) =	ssettag $0x1  }
0x1: {  	s1 =	rddreg [dreg:$0x0]  }
0x2: {  	s2 =	rddreg [dreg:$0x1];
	s3 =	srdreg.scid  }
0x3: {  	s0 =	stileid.u32;
	s10 =	rddreg [dreg:$0x2];
	s14 =	simm.s32 $0x900  }
0x4: {  	s15 =	simm.s32 $0x1100;
	s16 =	simm.s32 $0x1900;
	s17 =	simm.s32 $0x2100  }
0x5: {  	s18 =	simm.s32 $0x2900;
	s19 =	simm.s32 $0x3100;
	s20 =	simm.s32 $0x3900  }
0x6: {  	s21 =	simm.s32 $0x4100;
	s22 =	simm.s32 $0x4900;
	s23 =	simm.s32 $0x5100  }
0x7: {  	s28 =	simm.s32 $0x7100;
	s29 =	simm.s32 $0x7900;
	s30 =	simm.s32 $0x8100  }
0x8: {  	s31 =	simm.s32 $0x8900;
	s4 =	sand.u32 $0x1, s3;
	s5 =	sshll.u32 s0, $0x1  }
0x9: {  	s3 =	simm.s32 $0x0;
	s2 =	sadd.s32 $0x2801A00, s2;
	s5 =	sor.u32 s4, s5  }
0xa: {  	[smem:$0x7FF] =	sst s3;
	s4 =	ssub.s32 $0x2, s4;
	s8 =	smul.u32 $0x240, s5  }
0xb: {  	_ =	strace $0x8000004D;
	s7 =	sshrl.u32 s4, $0x1;
	s5 =	smul.u32 $0x4800, s5  }
0xc: {  	s11 =	ssub.s32 s4, s7;
	s6 =	sshrl.u32 s8, $0x3;
	s24 =	sadd.s32 $0x90, s8  }
0xd: {  	s4 =	sadd.s32 s10, s5;
	s9 =	sadd.s32 $0x120, s8;
	s8 =	sadd.s32 $0x1B0, s8  }
0xe: {  	s11 =	smax.u32 s11, $0x1;
	s6 =	sadd.s32 s2, s6;
	s25 =	sshrl.u32 s24, $0x3  }
0xf: {  	s26 =	sshrl.u32 s9, $0x3;
	s9 =	sshll.u32 s9, $0x5;
	s12 =	sshrl.u32 s8, $0x3  }
0x10: {  	s13 =	sshll.u32 s8, $0x5;
	[dreg:$0x4] =	wrdreg s6;
	s5 =	sadd.s32 s2, s25  }
0x11: {  	s6 =	sshll.u32 s24, $0x5;
	s7 =	sadd.s32 s2, s26;
	s8 =	sadd.s32 s10, s9  }
0x12: {  	v2 =	vlaneseq.u32;
	s9 =	sadd.s32 s2, s12;
	s12 =	simm.s32 $0x2;
	s24 =	simm.s32 $0x5900  }
0x13: {  	vm0 =	vmmov $0xffff;
	v1 =	vshrl.u32 v2, $0x3;
	s25 =	simm.s32 $0x6100;
	s26 =	simm.s32 $0x6900;
	s2 =	simm.s32 $0x1  }
0x14: {  	v0 =	vand.u32 $0x7, v2;
	v2 =	vor.u32 $0x8, v2;
	v1 =	vmul.u32 $0x8, v1;
	s6 =	sadd.s32 s10, s6;
	s10 =	sadd.s32 s10, s13;
	s13 =	simm.s32 $0x100  }
.LBB2_1:
0x15: {  	s0 =	rddreg [dreg:$0x4]  }
0x16: {  	[tilespmem:s3], [sflag:$0x2] =	stream.linear.gather [hbm4b:s0+s3], $0x90, $0x38;
	[tilespmem:$0x9100] =	vst v63  }
0x17: {  	_ =	swait.ge [sflag:s12], $0x90  }
0x18: {  	[sflag:s12] =	ssyncset.done $0x0  }
0x19: {  	[sflag:s12] =	ssyncadd.s32 $0xFFFFFF70  }
0x1a: {  	v3 =	vld [tilespmem:$0x0];
	_ =	sdelay $0x4  }
0x1b: {  	v4 =	vshll.u32 v3, $0x1  }
0x1c: {  	v3 =	vand.u32 $0x7, v3;
	v4 =	vand.u32 $0xFFFFFFF0, v4  }
0x1d: {  	v3 =	vor.u32 v3, v4  }
0x1e: {  	v4 =	vperm.xlane v3, v0;
	_ =	sdelay $0x1  }
0x1f: {  	v3 =	vperm.xlane v3, v2;
	v4 =	vadd.s32 v1, v4;
	_ =	sdelay $0x1  }
0x20: {  	v3 =	vadd.s32 v1, v3;
	_ =	sdelay $0x2  }
0x21: {  	[tilespmem:s13], [sflag:$0x1] =	stream.indirect_vreg.gather [hbm4b:s1+s3], $0x80, v4, vm0, $0xb8;
	[tilespmem:$0x9100] =	vst v63  }
0x22: {  	_ = 	snop  }
0x23: {  	[tilespmem:s14], [sflag:$0x1] =	stream.indirect_vreg.gather [hbm4b:s1+s3], $0x80, v3, vm0, $0xb8;
	[tilespmem:$0x9100] =	vst v63  }
0x24: {  	v3 =	vld [tilespmem:$0x10];
	_ =	sdelay $0x4  }
0x25: {  	v29 =	vshll.u32 v3, $0x1  }
0x26: {  	v3 =	vand.u32 $0x7, v3;
	v4 =	vand.u32 $0xFFFFFFF0, v29  }
0x27: {  	v3 =	vor.u32 v3, v4  }
0x28: {  	v4 =	vperm.xlane v3, v0;
	_ =	sdelay $0x1  }
0x29: {  	v3 =	vperm.xlane v3, v2;
	v4 =	vadd.s32 v1, v4;
	_ =	sdelay $0x1  }
0x2a: {  	v3 =	vadd.s32 v1, v3;
	_ =	sdelay $0x2  }
0x2b: {  	[tilespmem:s15], [sflag:$0x1] =	stream.indirect_vreg.gather [hbm4b:s1+s3], $0x80, v4, vm0, $0xb8;
	[tilespmem:$0x9100] =	vst v63  }
0x2c: {  	_ = 	snop  }
0x2d: {  	[tilespmem:s16], [sflag:$0x1] =	stream.indirect_vreg.gather [hbm4b:s1+s3], $0x80, v3, vm0, $0xb8;
	[tilespmem:$0x9100] =	vst v63  }
0x2e: {  	v3 =	vld [tilespmem:$0x20];
	_ =	sdelay $0x4  }
0x2f: {  	v30 =	vshll.u32 v3, $0x1  }
0x30: {  	v3 =	vand.u32 $0x7, v3;
	v4 =	vand.u32 $0xFFFFFFF0, v30  }
0x31: {  	v3 =	vor.u32 v3, v4  }
0x32: {  	v4 =	vperm.xlane v3, v0;
	_ =	sdelay $0x1  }
0x33: {  	v3 =	vperm.xlane v3, v2;
	v4 =	vadd.s32 v1, v4;
	_ =	sdelay $0x1  }
0x34: {  	v3 =	vadd.s32 v1, v3;
	_ =	sdelay $0x2  }
0x35: {  	[tilespmem:s17], [sflag:$0x1] =	stream.indirect_vreg.gather [hbm4b:s1+s3], $0x80, v4, vm0, $0xb8;
	[tilespmem:$0x9100] =	vst v63  }
0x36: {  	_ = 	snop  }
0x37: {  	[tilespmem:s18], [sflag:$0x1] =	stream.indirect_vreg.gather [hbm4b:s1+s3], $0x80, v3, vm0, $0xb8;
	[tilespmem:$0x9100] =	vst v63  }
0x38: {  	v3 =	vld [tilespmem:$0x30];
	_ =	sdelay $0x4  }
0x39: {  	v31 =	vshll.u32 v3, $0x1  }
0x3a: {  	v3 =	vand.u32 $0x7, v3;
	v4 =	vand.u32 $0xFFFFFFF0, v31  }
0x3b: {  	v3 =	vor.u32 v3, v4  }
0x3c: {  	v4 =	vperm.xlane v3, v0;
	_ =	sdelay $0x1  }
0x3d: {  	v3 =	vperm.xlane v3, v2;
	v4 =	vadd.s32 v1, v4;
	_ =	sdelay $0x1  }
0x3e: {  	v3 =	vadd.s32 v1, v3;
	_ =	sdelay $0x2  }
0x3f: {  	[tilespmem:s19], [sflag:$0x1] =	stream.indirect_vreg.gather [hbm4b:s1+s3], $0x80, v4, vm0, $0xb8;
	[tilespmem:$0x9100] =	vst v63  }
0x40: {  	_ = 	snop  }
0x41: {  	[tilespmem:s20], [sflag:$0x1] =	stream.indirect_vreg.gather [hbm4b:s1+s3], $0x80, v3, vm0, $0xb8;
	[tilespmem:$0x9100] =	vst v63  }
0x42: {  	v3 =	vld [tilespmem:$0x40];
	_ =	sdelay $0x4  }
0x43: {  	v32 =	vshll.u32 v3, $0x1  }
0x44: {  	v3 =	vand.u32 $0x7, v3;
	v4 =	vand.u32 $0xFFFFFFF0, v32  }
0x45: {  	v3 =	vor.u32 v3, v4  }
0x46: {  	v4 =	vperm.xlane v3, v0;
	_ =	sdelay $0x1  }
0x47: {  	v3 =	vperm.xlane v3, v2;
	v4 =	vadd.s32 v1, v4;
	_ =	sdelay $0x1  }
0x48: {  	v3 =	vadd.s32 v1, v3;
	_ =	sdelay $0x2  }
0x49: {  	[tilespmem:s21], [sflag:$0x1] =	stream.indirect_vreg.gather [hbm4b:s1+s3], $0x80, v4, vm0, $0xb8;
	[tilespmem:$0x9100] =	vst v63  }
0x4a: {  	_ = 	snop  }
0x4b: {  	[tilespmem:s22], [sflag:$0x1] =	stream.indirect_vreg.gather [hbm4b:s1+s3], $0x80, v3, vm0, $0xb8;
	[tilespmem:$0x9100] =	vst v63  }
0x4c: {  	v3 =	vld [tilespmem:$0x50];
	_ =	sdelay $0x4  }
0x4d: {  	v33 =	vshll.u32 v3, $0x1  }
0x4e: {  	v3 =	vand.u32 $0x7, v3;
	v4 =	vand.u32 $0xFFFFFFF0, v33  }
0x4f: {  	v3 =	vor.u32 v3, v4  }
0x50: {  	v4 =	vperm.xlane v3, v0;
	_ =	sdelay $0x1  }
0x51: {  	v3 =	vperm.xlane v3, v2;
	v4 =	vadd.s32 v1, v4;
	_ =	sdelay $0x1  }
0x52: {  	v3 =	vadd.s32 v1, v3;
	_ =	sdelay $0x2  }
0x53: {  	[tilespmem:s23], [sflag:$0x1] =	stream.indirect_vreg.gather [hbm4b:s1+s3], $0x80, v4, vm0, $0xb8;
	[tilespmem:$0x9100] =	vst v63  }
0x54: {  	_ = 	snop  }
0x55: {  	[tilespmem:s24], [sflag:$0x1] =	stream.indirect_vreg.gather [hbm4b:s1+s3], $0x80, v3, vm0, $0xb8;
	[tilespmem:$0x9100] =	vst v63  }
0x56: {  	v3 =	vld [tilespmem:$0x60];
	_ =	sdelay $0x4  }
0x57: {  	v34 =	vshll.u32 v3, $0x1  }
0x58: {  	v3 =	vand.u32 $0x7, v3;
	v4 =	vand.u32 $0xFFFFFFF0, v34  }
0x59: {  	v3 =	vor.u32 v3, v4  }
0x5a: {  	v4 =	vperm.xlane v3, v0;
	_ =	sdelay $0x1  }
0x5b: {  	v3 =	vperm.xlane v3, v2;
	v4 =	vadd.s32 v1, v4;
	_ =	sdelay $0x1  }
0x5c: {  	v3 =	vadd.s32 v1, v3;
	_ =	sdelay $0x2  }
0x5d: {  	[tilespmem:s25], [sflag:$0x1] =	stream.indirect_vreg.gather [hbm4b:s1+s3], $0x80, v4, vm0, $0xb8;
	[tilespmem:$0x9100] =	vst v63  }
0x5e: {  	_ = 	snop  }
0x5f: {  	[tilespmem:s26], [sflag:$0x1] =	stream.indirect_vreg.gather [hbm4b:s1+s3], $0x80, v3, vm0, $0xb8;
	[tilespmem:$0x9100] =	vst v63  }
0x60: {  	v3 =	vld [tilespmem:$0x70];
	_ =	sdelay $0x4  }
0x61: {  	v35 =	vshll.u32 v3, $0x1  }
0x62: {  	v3 =	vand.u32 $0x7, v3;
	v4 =	vand.u32 $0xFFFFFFF0, v35  }
0x63: {  	v3 =	vor.u32 v3, v4  }
0x64: {  	v4 =	vperm.xlane v3, v0;
	_ =	sdelay $0x1  }
0x65: {  	v3 =	vperm.xlane v3, v2;
	v4 =	vadd.s32 v1, v4;
	_ =	sdelay $0x1  }
0x66: {  	v3 =	vadd.s32 v1, v3;
	_ =	sdelay $0x2  }
0x67: {  	[tilespmem:s28], [sflag:$0x1] =	stream.indirect_vreg.gather [hbm4b:s1+s3], $0x80, v4, vm0, $0xb8;
	[tilespmem:$0x9100] =	vst v63  }
0x68: {  	_ = 	snop  }
0x69: {  	[tilespmem:s29], [sflag:$0x1] =	stream.indirect_vreg.gather [hbm4b:s1+s3], $0x80, v3, vm0, $0xb8;
	[tilespmem:$0x9100] =	vst v63  }
0x6a: {  	v3 =	vld [tilespmem:$0x80];
	_ =	sdelay $0x4  }
0x6b: {  	v36 =	vshll.u32 v3, $0x1  }
0x6c: {  	v3 =	vand.u32 $0x7, v3;
	v4 =	vand.u32 $0xFFFFFFF0, v36  }
0x6d: {  	v3 =	vor.u32 v3, v4  }
0x6e: {  	v4 =	vperm.xlane v3, v0;
	_ =	sdelay $0x1  }
0x6f: {  	v3 =	vperm.xlane v3, v2;
	v4 =	vadd.s32 v1, v4;
	_ =	sdelay $0x1  }
0x70: {  	v3 =	vadd.s32 v1, v3;
	_ =	sdelay $0x2  }
0x71: {  	[tilespmem:s30], [sflag:$0x1] =	stream.indirect_vreg.gather [hbm4b:s1+s3], $0x80, v4, vm0, $0xb8;
	[tilespmem:$0x9100] =	vst v63  }
0x72: {  	_ = 	snop  }
0x73: {  	[tilespmem:s31], [sflag:$0x1] =	stream.indirect_vreg.gather [hbm4b:s1+s3], $0x80, v3, vm0, $0xb8;
	[tilespmem:$0x9100] =	vst v63  }
0x74: {  	_ =	swait.ge [sflag:s2], $0x9000  }
0x75: {  	[sflag:s2] =	ssyncset.done $0x0  }
0x76: {  	[sflag:s2] =	ssyncadd.s32 $0xFFFF7000  }
0x77: {  	[hbm4b:s4+s3] =	stream.linear.scatter [tilespmem:s13], [sflag:$0x2], $0x9000, $0x38;
	[tilespmem:$0x9100] =	vst v63  }
0x78: {  	_ =	swait.ge [sflag:s12], $0x9000  }
0x79: {  	[sflag:s12] =	ssyncset.done $0x0  }
0x7a: {  	[sflag:s12] =	ssyncadd.s32 $0xFFFF7000  }
0x7b: {  	[tilespmem:s3], [sflag:$0x2] =	stream.linear.gather [hbm4b:s5+s3], $0x90, $0x38;
	[tilespmem:$0x9100] =	vst v63  }
0x7c: {  	_ =	swait.ge [sflag:s12], $0x90  }
0x7d: {  	[sflag:s12] =	ssyncset.done $0x0  }
0x7e: {  	[sflag:s12] =	ssyncadd.s32 $0xFFFFFF70  }
0x7f: {  	v3 =	vld [tilespmem:$0x0];
	_ =	sdelay $0x4  }
0x80: {  	v37 =	vshll.u32 v3, $0x1  }
0x81: {  	v3 =	vand.u32 $0x7, v3;
	v4 =	vand.u32 $0xFFFFFFF0, v37  }
0x82: {  	v3 =	vor.u32 v3, v4  }
0x83: {  	v4 =	vperm.xlane v3, v0;
	_ =	sdelay $0x1  }
0x84: {  	v3 =	vperm.xlane v3, v2;
	v4 =	vadd.s32 v1, v4;
	_ =	sdelay $0x1  }
0x85: {  	v3 =	vadd.s32 v1, v3;
	_ =	sdelay $0x2  }
0x86: {  	[tilespmem:s13], [sflag:$0x1] =	stream.indirect_vreg.gather [hbm4b:s1+s3], $0x80, v4, vm0, $0xb8;
	[tilespmem:$0x9100] =	vst v63  }
0x87: {  	_ = 	snop  }
0x88: {  	[tilespmem:s14], [sflag:$0x1] =	stream.indirect_vreg.gather [hbm4b:s1+s3], $0x80, v3, vm0, $0xb8;
	[tilespmem:$0x9100] =	vst v63  }
0x89: {  	v3 =	vld [tilespmem:$0x10];
	_ =	sdelay $0x4  }
0x8a: {  	v38 =	vshll.u32 v3, $0x1  }
0x8b: {  	v3 =	vand.u32 $0x7, v3;
	v4 =	vand.u32 $0xFFFFFFF0, v38  }
0x8c: {  	v3 =	vor.u32 v3, v4  }
0x8d: {  	v4 =	vperm.xlane v3, v0;
	_ =	sdelay $0x1  }
0x8e: {  	v3 =	vperm.xlane v3, v2;
	v4 =	vadd.s32 v1, v4;
	_ =	sdelay $0x1  }
0x8f: {  	v3 =	vadd.s32 v1, v3;
	_ =	sdelay $0x2  }
0x90: {  	[tilespmem:s15], [sflag:$0x1] =	stream.indirect_vreg.gather [hbm4b:s1+s3], $0x80, v4, vm0, $0xb8;
	[tilespmem:$0x9100] =	vst v63  }
0x91: {  	_ = 	snop  }
0x92: {  	[tilespmem:s16], [sflag:$0x1] =	stream.indirect_vreg.gather [hbm4b:s1+s3], $0x80, v3, vm0, $0xb8;
	[tilespmem:$0x9100] =	vst v63  }
0x93: {  	v3 =	vld [tilespmem:$0x20];
	_ =	sdelay $0x4  }
0x94: {  	v39 =	vshll.u32 v3, $0x1  }
0x95: {  	v3 =	vand.u32 $0x7, v3;
	v4 =	vand.u32 $0xFFFFFFF0, v39  }
0x96: {  	v3 =	vor.u32 v3, v4  }
0x97: {  	v4 =	vperm.xlane v3, v0;
	_ =	sdelay $0x1  }
0x98: {  	v3 =	vperm.xlane v3, v2;
	v4 =	vadd.s32 v1, v4;
	_ =	sdelay $0x1  }
0x99: {  	v3 =	vadd.s32 v1, v3;
	_ =	sdelay $0x2  }
0x9a: {  	[tilespmem:s17], [sflag:$0x1] =	stream.indirect_vreg.gather [hbm4b:s1+s3], $0x80, v4, vm0, $0xb8;
	[tilespmem:$0x9100] =	vst v63  }
0x9b: {  	_ = 	snop  }
0x9c: {  	[tilespmem:s18], [sflag:$0x1] =	stream.indirect_vreg.gather [hbm4b:s1+s3], $0x80, v3, vm0, $0xb8;
	[tilespmem:$0x9100] =	vst v63  }
0x9d: {  	v3 =	vld [tilespmem:$0x30];
	_ =	sdelay $0x4  }
0x9e: {  	v40 =	vshll.u32 v3, $0x1  }
0x9f: {  	v3 =	vand.u32 $0x7, v3;
	v4 =	vand.u32 $0xFFFFFFF0, v40  }
0xa0: {  	v3 =	vor.u32 v3, v4  }
0xa1: {  	v4 =	vperm.xlane v3, v0;
	_ =	sdelay $0x1  }
0xa2: {  	v3 =	vperm.xlane v3, v2;
	v4 =	vadd.s32 v1, v4;
	_ =	sdelay $0x1  }
0xa3: {  	v3 =	vadd.s32 v1, v3;
	_ =	sdelay $0x2  }
0xa4: {  	[tilespmem:s19], [sflag:$0x1] =	stream.indirect_vreg.gather [hbm4b:s1+s3], $0x80, v4, vm0, $0xb8;
	[tilespmem:$0x9100] =	vst v63  }
0xa5: {  	_ = 	snop  }
0xa6: {  	[tilespmem:s20], [sflag:$0x1] =	stream.indirect_vreg.gather [hbm4b:s1+s3], $0x80, v3, vm0, $0xb8;
	[tilespmem:$0x9100] =	vst v63  }
0xa7: {  	v3 =	vld [tilespmem:$0x40];
	_ =	sdelay $0x4  }
0xa8: {  	v41 =	vshll.u32 v3, $0x1  }
0xa9: {  	v3 =	vand.u32 $0x7, v3;
	v4 =	vand.u32 $0xFFFFFFF0, v41  }
0xaa: {  	v3 =	vor.u32 v3, v4  }
0xab: {  	v4 =	vperm.xlane v3, v0;
	_ =	sdelay $0x1  }
0xac: {  	v3 =	vperm.xlane v3, v2;
	v4 =	vadd.s32 v1, v4;
	_ =	sdelay $0x1  }
0xad: {  	v3 =	vadd.s32 v1, v3;
	_ =	sdelay $0x2  }
0xae: {  	[tilespmem:s21], [sflag:$0x1] =	stream.indirect_vreg.gather [hbm4b:s1+s3], $0x80, v4, vm0, $0xb8;
	[tilespmem:$0x9100] =	vst v63  }
0xaf: {  	_ = 	snop  }
0xb0: {  	[tilespmem:s22], [sflag:$0x1] =	stream.indirect_vreg.gather [hbm4b:s1+s3], $0x80, v3, vm0, $0xb8;
	[tilespmem:$0x9100] =	vst v63  }
0xb1: {  	v3 =	vld [tilespmem:$0x50];
	_ =	sdelay $0x4  }
0xb2: {  	v42 =	vshll.u32 v3, $0x1  }
0xb3: {  	v3 =	vand.u32 $0x7, v3;
	v4 =	vand.u32 $0xFFFFFFF0, v42  }
0xb4: {  	v3 =	vor.u32 v3, v4  }
0xb5: {  	v4 =	vperm.xlane v3, v0;
	_ =	sdelay $0x1  }
0xb6: {  	v3 =	vperm.xlane v3, v2;
	v4 =	vadd.s32 v1, v4;
	_ =	sdelay $0x1  }
0xb7: {  	v3 =	vadd.s32 v1, v3;
	_ =	sdelay $0x2  }
0xb8: {  	[tilespmem:s23], [sflag:$0x1] =	stream.indirect_vreg.gather [hbm4b:s1+s3], $0x80, v4, vm0, $0xb8;
	[tilespmem:$0x9100] =	vst v63  }
0xb9: {  	_ = 	snop  }
0xba: {  	[tilespmem:s24], [sflag:$0x1] =	stream.indirect_vreg.gather [hbm4b:s1+s3], $0x80, v3, vm0, $0xb8;
	[tilespmem:$0x9100] =	vst v63  }
0xbb: {  	v3 =	vld [tilespmem:$0x60];
	_ =	sdelay $0x4  }
0xbc: {  	v43 =	vshll.u32 v3, $0x1  }
0xbd: {  	v3 =	vand.u32 $0x7, v3;
	v4 =	vand.u32 $0xFFFFFFF0, v43  }
0xbe: {  	v3 =	vor.u32 v3, v4  }
0xbf: {  	v4 =	vperm.xlane v3, v0;
	_ =	sdelay $0x1  }
0xc0: {  	v3 =	vperm.xlane v3, v2;
	v4 =	vadd.s32 v1, v4;
	_ =	sdelay $0x1  }
0xc1: {  	v3 =	vadd.s32 v1, v3;
	_ =	sdelay $0x2  }
0xc2: {  	[tilespmem:s25], [sflag:$0x1] =	stream.indirect_vreg.gather [hbm4b:s1+s3], $0x80, v4, vm0, $0xb8;
	[tilespmem:$0x9100] =	vst v63  }
0xc3: {  	_ = 	snop  }
0xc4: {  	[tilespmem:s26], [sflag:$0x1] =	stream.indirect_vreg.gather [hbm4b:s1+s3], $0x80, v3, vm0, $0xb8;
	[tilespmem:$0x9100] =	vst v63  }
0xc5: {  	v3 =	vld [tilespmem:$0x70];
	_ =	sdelay $0x4  }
0xc6: {  	v44 =	vshll.u32 v3, $0x1  }
0xc7: {  	v3 =	vand.u32 $0x7, v3;
	v4 =	vand.u32 $0xFFFFFFF0, v44  }
0xc8: {  	v3 =	vor.u32 v3, v4  }
0xc9: {  	v4 =	vperm.xlane v3, v0;
	_ =	sdelay $0x1  }
0xca: {  	v3 =	vperm.xlane v3, v2;
	v4 =	vadd.s32 v1, v4;
	_ =	sdelay $0x1  }
0xcb: {  	v3 =	vadd.s32 v1, v3;
	_ =	sdelay $0x2  }
0xcc: {  	[tilespmem:s28], [sflag:$0x1] =	stream.indirect_vreg.gather [hbm4b:s1+s3], $0x80, v4, vm0, $0xb8;
	[tilespmem:$0x9100] =	vst v63  }
0xcd: {  	_ = 	snop  }
0xce: {  	[tilespmem:s29], [sflag:$0x1] =	stream.indirect_vreg.gather [hbm4b:s1+s3], $0x80, v3, vm0, $0xb8;
	[tilespmem:$0x9100] =	vst v63  }
0xcf: {  	v3 =	vld [tilespmem:$0x80];
	_ =	sdelay $0x4  }
0xd0: {  	v45 =	vshll.u32 v3, $0x1  }
0xd1: {  	v3 =	vand.u32 $0x7, v3;
	v4 =	vand.u32 $0xFFFFFFF0, v45  }
0xd2: {  	v3 =	vor.u32 v3, v4  }
0xd3: {  	v4 =	vperm.xlane v3, v0;
	_ =	sdelay $0x1  }
0xd4: {  	v3 =	vperm.xlane v3, v2;
	v4 =	vadd.s32 v1, v4;
	_ =	sdelay $0x1  }
0xd5: {  	v3 =	vadd.s32 v1, v3;
	_ =	sdelay $0x2  }
0xd6: {  	[tilespmem:s30], [sflag:$0x1] =	stream.indirect_vreg.gather [hbm4b:s1+s3], $0x80, v4, vm0, $0xb8;
	[tilespmem:$0x9100] =	vst v63  }
0xd7: {  	_ = 	snop  }
0xd8: {  	[tilespmem:s31], [sflag:$0x1] =	stream.indirect_vreg.gather [hbm4b:s1+s3], $0x80, v3, vm0, $0xb8;
	[tilespmem:$0x9100] =	vst v63  }
0xd9: {  	_ =	swait.ge [sflag:s2], $0x9000  }
0xda: {  	[sflag:s2] =	ssyncset.done $0x0  }
0xdb: {  	[sflag:s2] =	ssyncadd.s32 $0xFFFF7000  }
0xdc: {  	[hbm4b:s6+s3] =	stream.linear.scatter [tilespmem:s13], [sflag:$0x2], $0x9000, $0x38;
	[tilespmem:$0x9100] =	vst v63  }
0xdd: {  	_ =	swait.ge [sflag:s12], $0x9000  }
0xde: {  	[sflag:s12] =	ssyncset.done $0x0  }
0xdf: {  	[sflag:s12] =	ssyncadd.s32 $0xFFFF7000  }
0xe0: {  	[tilespmem:s3], [sflag:$0x2] =	stream.linear.gather [hbm4b:s7+s3], $0x90, $0x38;
	[tilespmem:$0x9100] =	vst v63  }
0xe1: {  	_ =	swait.ge [sflag:s12], $0x90  }
0xe2: {  	[sflag:s12] =	ssyncset.done $0x0  }
0xe3: {  	[sflag:s12] =	ssyncadd.s32 $0xFFFFFF70  }
0xe4: {  	v3 =	vld [tilespmem:$0x0];
	_ =	sdelay $0x4  }
0xe5: {  	v46 =	vshll.u32 v3, $0x1  }
0xe6: {  	v3 =	vand.u32 $0x7, v3;
	v4 =	vand.u32 $0xFFFFFFF0, v46  }
0xe7: {  	v3 =	vor.u32 v3, v4  }
0xe8: {  	v4 =	vperm.xlane v3, v0;
	_ =	sdelay $0x1  }
0xe9: {  	v3 =	vperm.xlane v3, v2;
	v4 =	vadd.s32 v1, v4;
	_ =	sdelay $0x1  }
0xea: {  	v3 =	vadd.s32 v1, v3;
	_ =	sdelay $0x2  }
0xeb: {  	[tilespmem:s13], [sflag:$0x1] =	stream.indirect_vreg.gather [hbm4b:s1+s3], $0x80, v4, vm0, $0xb8;
	[tilespmem:$0x9100] =	vst v63  }
0xec: {  	_ = 	snop  }
0xed: {  	[tilespmem:s14], [sflag:$0x1] =	stream.indirect_vreg.gather [hbm4b:s1+s3], $0x80, v3, vm0, $0xb8;
	[tilespmem:$0x9100] =	vst v63  }
0xee: {  	v3 =	vld [tilespmem:$0x10];
	_ =	sdelay $0x4  }
0xef: {  	v47 =	vshll.u32 v3, $0x1  }
0xf0: {  	v3 =	vand.u32 $0x7, v3;
	v4 =	vand.u32 $0xFFFFFFF0, v47  }
0xf1: {  	v3 =	vor.u32 v3, v4  }
0xf2: {  	v4 =	vperm.xlane v3, v0;
	_ =	sdelay $0x1  }
0xf3: {  	v3 =	vperm.xlane v3, v2;
	v4 =	vadd.s32 v1, v4;
	_ =	sdelay $0x1  }
0xf4: {  	v3 =	vadd.s32 v1, v3;
	_ =	sdelay $0x2  }
0xf5: {  	[tilespmem:s15], [sflag:$0x1] =	stream.indirect_vreg.gather [hbm4b:s1+s3], $0x80, v4, vm0, $0xb8;
	[tilespmem:$0x9100] =	vst v63  }
0xf6: {  	_ = 	snop  }
0xf7: {  	[tilespmem:s16], [sflag:$0x1] =	stream.indirect_vreg.gather [hbm4b:s1+s3], $0x80, v3, vm0, $0xb8;
	[tilespmem:$0x9100] =	vst v63  }
0xf8: {  	v3 =	vld [tilespmem:$0x20];
	_ =	sdelay $0x4  }
0xf9: {  	v48 =	vshll.u32 v3, $0x1  }
0xfa: {  	v3 =	vand.u32 $0x7, v3;
	v4 =	vand.u32 $0xFFFFFFF0, v48  }
0xfb: {  	v3 =	vor.u32 v3, v4  }
0xfc: {  	v4 =	vperm.xlane v3, v0;
	_ =	sdelay $0x1  }
0xfd: {  	v3 =	vperm.xlane v3, v2;
	v4 =	vadd.s32 v1, v4;
	_ =	sdelay $0x1  }
0xfe: {  	v3 =	vadd.s32 v1, v3;
	_ =	sdelay $0x2  }
0xff: {  	[tilespmem:s17], [sflag:$0x1] =	stream.indirect_vreg.gather [hbm4b:s1+s3], $0x80, v4, vm0, $0xb8;
	[tilespmem:$0x9100] =	vst v63  }
0x100: {  	_ = 	snop  }
0x101: {  	[tilespmem:s18], [sflag:$0x1] =	stream.indirect_vreg.gather [hbm4b:s1+s3], $0x80, v3, vm0, $0xb8;
	[tilespmem:$0x9100] =	vst v63  }
0x102: {  	v3 =	vld [tilespmem:$0x30];
	_ =	sdelay $0x4  }
0x103: {  	v49 =	vshll.u32 v3, $0x1  }
0x104: {  	v3 =	vand.u32 $0x7, v3;
	v4 =	vand.u32 $0xFFFFFFF0, v49  }
0x105: {  	v3 =	vor.u32 v3, v4  }
0x106: {  	v4 =	vperm.xlane v3, v0;
	_ =	sdelay $0x1  }
0x107: {  	v3 =	vperm.xlane v3, v2;
	v4 =	vadd.s32 v1, v4;
	_ =	sdelay $0x1  }
0x108: {  	v3 =	vadd.s32 v1, v3;
	_ =	sdelay $0x2  }
0x109: {  	[tilespmem:s19], [sflag:$0x1] =	stream.indirect_vreg.gather [hbm4b:s1+s3], $0x80, v4, vm0, $0xb8;
	[tilespmem:$0x9100] =	vst v63  }
0x10a: {  	_ = 	snop  }
0x10b: {  	[tilespmem:s20], [sflag:$0x1] =	stream.indirect_vreg.gather [hbm4b:s1+s3], $0x80, v3, vm0, $0xb8;
	[tilespmem:$0x9100] =	vst v63  }
0x10c: {  	v3 =	vld [tilespmem:$0x40];
	_ =	sdelay $0x4  }
0x10d: {  	v50 =	vshll.u32 v3, $0x1  }
0x10e: {  	v3 =	vand.u32 $0x7, v3;
	v4 =	vand.u32 $0xFFFFFFF0, v50  }
0x10f: {  	v3 =	vor.u32 v3, v4  }
0x110: {  	v4 =	vperm.xlane v3, v0;
	_ =	sdelay $0x1  }
0x111: {  	v3 =	vperm.xlane v3, v2;
	v4 =	vadd.s32 v1, v4;
	_ =	sdelay $0x1  }
0x112: {  	v3 =	vadd.s32 v1, v3;
	_ =	sdelay $0x2  }
0x113: {  	[tilespmem:s21], [sflag:$0x1] =	stream.indirect_vreg.gather [hbm4b:s1+s3], $0x80, v4, vm0, $0xb8;
	[tilespmem:$0x9100] =	vst v63  }
0x114: {  	_ = 	snop  }
0x115: {  	[tilespmem:s22], [sflag:$0x1] =	stream.indirect_vreg.gather [hbm4b:s1+s3], $0x80, v3, vm0, $0xb8;
	[tilespmem:$0x9100] =	vst v63  }
0x116: {  	v3 =	vld [tilespmem:$0x50];
	_ =	sdelay $0x4  }
0x117: {  	v51 =	vshll.u32 v3, $0x1  }
0x118: {  	v3 =	vand.u32 $0x7, v3;
	v4 =	vand.u32 $0xFFFFFFF0, v51  }
0x119: {  	v3 =	vor.u32 v3, v4  }
0x11a: {  	v4 =	vperm.xlane v3, v0;
	_ =	sdelay $0x1  }
0x11b: {  	v3 =	vperm.xlane v3, v2;
	v4 =	vadd.s32 v1, v4;
	_ =	sdelay $0x1  }
0x11c: {  	v3 =	vadd.s32 v1, v3;
	_ =	sdelay $0x2  }
0x11d: {  	[tilespmem:s23], [sflag:$0x1] =	stream.indirect_vreg.gather [hbm4b:s1+s3], $0x80, v4, vm0, $0xb8;
	[tilespmem:$0x9100] =	vst v63  }
0x11e: {  	_ = 	snop  }
0x11f: {  	[tilespmem:s24], [sflag:$0x1] =	stream.indirect_vreg.gather [hbm4b:s1+s3], $0x80, v3, vm0, $0xb8;
	[tilespmem:$0x9100] =	vst v63  }
0x120: {  	v3 =	vld [tilespmem:$0x60];
	_ =	sdelay $0x4  }
0x121: {  	v52 =	vshll.u32 v3, $0x1  }
0x122: {  	v3 =	vand.u32 $0x7, v3;
	v4 =	vand.u32 $0xFFFFFFF0, v52  }
0x123: {  	v3 =	vor.u32 v3, v4  }
0x124: {  	v4 =	vperm.xlane v3, v0;
	_ =	sdelay $0x1  }
0x125: {  	v3 =	vperm.xlane v3, v2;
	v4 =	vadd.s32 v1, v4;
	_ =	sdelay $0x1  }
0x126: {  	v3 =	vadd.s32 v1, v3;
	_ =	sdelay $0x2  }
0x127: {  	[tilespmem:s25], [sflag:$0x1] =	stream.indirect_vreg.gather [hbm4b:s1+s3], $0x80, v4, vm0, $0xb8;
	[tilespmem:$0x9100] =	vst v63  }
0x128: {  	_ = 	snop  }
0x129: {  	[tilespmem:s26], [sflag:$0x1] =	stream.indirect_vreg.gather [hbm4b:s1+s3], $0x80, v3, vm0, $0xb8;
	[tilespmem:$0x9100] =	vst v63  }
0x12a: {  	v3 =	vld [tilespmem:$0x70];
	_ =	sdelay $0x4  }
0x12b: {  	v53 =	vshll.u32 v3, $0x1  }
0x12c: {  	v3 =	vand.u32 $0x7, v3;
	v4 =	vand.u32 $0xFFFFFFF0, v53  }
0x12d: {  	v3 =	vor.u32 v3, v4  }
0x12e: {  	v4 =	vperm.xlane v3, v0;
	_ =	sdelay $0x1  }
0x12f: {  	v3 =	vperm.xlane v3, v2;
	v4 =	vadd.s32 v1, v4;
	_ =	sdelay $0x1  }
0x130: {  	v3 =	vadd.s32 v1, v3;
	_ =	sdelay $0x2  }
0x131: {  	[tilespmem:s28], [sflag:$0x1] =	stream.indirect_vreg.gather [hbm4b:s1+s3], $0x80, v4, vm0, $0xb8;
	[tilespmem:$0x9100] =	vst v63  }
0x132: {  	_ = 	snop  }
0x133: {  	[tilespmem:s29], [sflag:$0x1] =	stream.indirect_vreg.gather [hbm4b:s1+s3], $0x80, v3, vm0, $0xb8;
	[tilespmem:$0x9100] =	vst v63  }
0x134: {  	v3 =	vld [tilespmem:$0x80];
	_ =	sdelay $0x4  }
0x135: {  	v54 =	vshll.u32 v3, $0x1  }
0x136: {  	v3 =	vand.u32 $0x7, v3;
	v4 =	vand.u32 $0xFFFFFFF0, v54  }
0x137: {  	v3 =	vor.u32 v3, v4  }
0x138: {  	v4 =	vperm.xlane v3, v0;
	_ =	sdelay $0x1  }
0x139: {  	v3 =	vperm.xlane v3, v2;
	v4 =	vadd.s32 v1, v4;
	_ =	sdelay $0x1  }
0x13a: {  	v3 =	vadd.s32 v1, v3;
	_ =	sdelay $0x2  }
0x13b: {  	[tilespmem:s30], [sflag:$0x1] =	stream.indirect_vreg.gather [hbm4b:s1+s3], $0x80, v4, vm0, $0xb8;
	[tilespmem:$0x9100] =	vst v63  }
0x13c: {  	_ = 	snop  }
0x13d: {  	[tilespmem:s31], [sflag:$0x1] =	stream.indirect_vreg.gather [hbm4b:s1+s3], $0x80, v3, vm0, $0xb8;
	[tilespmem:$0x9100] =	vst v63  }
0x13e: {  	_ =	swait.ge [sflag:s2], $0x9000  }
0x13f: {  	[sflag:s2] =	ssyncset.done $0x0  }
0x140: {  	[sflag:s2] =	ssyncadd.s32 $0xFFFF7000  }
0x141: {  	[hbm4b:s8+s3] =	stream.linear.scatter [tilespmem:s13], [sflag:$0x2], $0x9000, $0x38;
	[tilespmem:$0x9100] =	vst v63  }
0x142: {  	_ =	swait.ge [sflag:s12], $0x9000  }
0x143: {  	[sflag:s12] =	ssyncset.done $0x0  }
0x144: {  	[sflag:s12] =	ssyncadd.s32 $0xFFFF7000  }
0x145: {  	[tilespmem:s3], [sflag:$0x2] =	stream.linear.gather [hbm4b:s9+s3], $0x90, $0x38;
	[tilespmem:$0x9100] =	vst v63  }
0x146: {  	_ =	swait.ge [sflag:s12], $0x90  }
0x147: {  	[sflag:s12] =	ssyncset.done $0x0  }
0x148: {  	[sflag:s12] =	ssyncadd.s32 $0xFFFFFF70  }
0x149: {  	v3 =	vld [tilespmem:$0x0];
	_ =	sdelay $0x4  }
0x14a: {  	v55 =	vshll.u32 v3, $0x1  }
0x14b: {  	v3 =	vand.u32 $0x7, v3;
	v4 =	vand.u32 $0xFFFFFFF0, v55  }
0x14c: {  	v3 =	vor.u32 v3, v4  }
0x14d: {  	v4 =	vperm.xlane v3, v0;
	_ =	sdelay $0x1  }
0x14e: {  	v3 =	vperm.xlane v3, v2;
	v4 =	vadd.s32 v1, v4;
	_ =	sdelay $0x1  }
0x14f: {  	v3 =	vadd.s32 v1, v3;
	_ =	sdelay $0x2  }
0x150: {  	[tilespmem:s13], [sflag:$0x1] =	stream.indirect_vreg.gather [hbm4b:s1+s3], $0x80, v4, vm0, $0xb8;
	[tilespmem:$0x9100] =	vst v63  }
0x151: {  	_ = 	snop  }
0x152: {  	[tilespmem:s14], [sflag:$0x1] =	stream.indirect_vreg.gather [hbm4b:s1+s3], $0x80, v3, vm0, $0xb8;
	[tilespmem:$0x9100] =	vst v63  }
0x153: {  	v3 =	vld [tilespmem:$0x10];
	_ =	sdelay $0x4  }
0x154: {  	v56 =	vshll.u32 v3, $0x1  }
0x155: {  	v3 =	vand.u32 $0x7, v3;
	v4 =	vand.u32 $0xFFFFFFF0, v56  }
0x156: {  	v3 =	vor.u32 v3, v4  }
0x157: {  	v4 =	vperm.xlane v3, v0;
	_ =	sdelay $0x1  }
0x158: {  	v3 =	vperm.xlane v3, v2;
	v4 =	vadd.s32 v1, v4;
	_ =	sdelay $0x1  }
0x159: {  	v3 =	vadd.s32 v1, v3;
	_ =	sdelay $0x2  }
0x15a: {  	[tilespmem:s15], [sflag:$0x1] =	stream.indirect_vreg.gather [hbm4b:s1+s3], $0x80, v4, vm0, $0xb8;
	[tilespmem:$0x9100] =	vst v63  }
0x15b: {  	_ = 	snop  }
0x15c: {  	[tilespmem:s16], [sflag:$0x1] =	stream.indirect_vreg.gather [hbm4b:s1+s3], $0x80, v3, vm0, $0xb8;
	[tilespmem:$0x9100] =	vst v63  }
0x15d: {  	v3 =	vld [tilespmem:$0x20];
	_ =	sdelay $0x4  }
0x15e: {  	v57 =	vshll.u32 v3, $0x1  }
0x15f: {  	v3 =	vand.u32 $0x7, v3;
	v4 =	vand.u32 $0xFFFFFFF0, v57  }
0x160: {  	v3 =	vor.u32 v3, v4  }
0x161: {  	v4 =	vperm.xlane v3, v0;
	_ =	sdelay $0x1  }
0x162: {  	v3 =	vperm.xlane v3, v2;
	v4 =	vadd.s32 v1, v4;
	_ =	sdelay $0x1  }
0x163: {  	v3 =	vadd.s32 v1, v3;
	_ =	sdelay $0x2  }
0x164: {  	[tilespmem:s17], [sflag:$0x1] =	stream.indirect_vreg.gather [hbm4b:s1+s3], $0x80, v4, vm0, $0xb8;
	[tilespmem:$0x9100] =	vst v63  }
0x165: {  	_ = 	snop  }
0x166: {  	[tilespmem:s18], [sflag:$0x1] =	stream.indirect_vreg.gather [hbm4b:s1+s3], $0x80, v3, vm0, $0xb8;
	[tilespmem:$0x9100] =	vst v63  }
0x167: {  	v3 =	vld [tilespmem:$0x30];
	_ =	sdelay $0x4  }
0x168: {  	v58 =	vshll.u32 v3, $0x1  }
0x169: {  	v3 =	vand.u32 $0x7, v3;
	v4 =	vand.u32 $0xFFFFFFF0, v58  }
0x16a: {  	v3 =	vor.u32 v3, v4  }
0x16b: {  	v4 =	vperm.xlane v3, v0;
	_ =	sdelay $0x1  }
0x16c: {  	v3 =	vperm.xlane v3, v2;
	v4 =	vadd.s32 v1, v4;
	_ =	sdelay $0x1  }
0x16d: {  	v3 =	vadd.s32 v1, v3;
	_ =	sdelay $0x2  }
0x16e: {  	[tilespmem:s19], [sflag:$0x1] =	stream.indirect_vreg.gather [hbm4b:s1+s3], $0x80, v4, vm0, $0xb8;
	[tilespmem:$0x9100] =	vst v63  }
0x16f: {  	_ = 	snop  }
0x170: {  	[tilespmem:s20], [sflag:$0x1] =	stream.indirect_vreg.gather [hbm4b:s1+s3], $0x80, v3, vm0, $0xb8;
	[tilespmem:$0x9100] =	vst v63  }
0x171: {  	v3 =	vld [tilespmem:$0x40];
	_ =	sdelay $0x4  }
0x172: {  	v59 =	vshll.u32 v3, $0x1  }
0x173: {  	v3 =	vand.u32 $0x7, v3;
	v4 =	vand.u32 $0xFFFFFFF0, v59  }
0x174: {  	v3 =	vor.u32 v3, v4  }
0x175: {  	v4 =	vperm.xlane v3, v0;
	_ =	sdelay $0x1  }
0x176: {  	v3 =	vperm.xlane v3, v2;
	v4 =	vadd.s32 v1, v4;
	_ =	sdelay $0x1  }
0x177: {  	v3 =	vadd.s32 v1, v3;
	_ =	sdelay $0x2  }
0x178: {  	[tilespmem:s21], [sflag:$0x1] =	stream.indirect_vreg.gather [hbm4b:s1+s3], $0x80, v4, vm0, $0xb8;
	[tilespmem:$0x9100] =	vst v63  }
0x179: {  	_ = 	snop  }
0x17a: {  	[tilespmem:s22], [sflag:$0x1] =	stream.indirect_vreg.gather [hbm4b:s1+s3], $0x80, v3, vm0, $0xb8;
	[tilespmem:$0x9100] =	vst v63  }
0x17b: {  	v3 =	vld [tilespmem:$0x50];
	_ =	sdelay $0x4  }
0x17c: {  	v60 =	vshll.u32 v3, $0x1  }
0x17d: {  	v3 =	vand.u32 $0x7, v3;
	v4 =	vand.u32 $0xFFFFFFF0, v60  }
0x17e: {  	v3 =	vor.u32 v3, v4  }
0x17f: {  	v4 =	vperm.xlane v3, v0;
	_ =	sdelay $0x1  }
0x180: {  	v3 =	vperm.xlane v3, v2;
	v4 =	vadd.s32 v1, v4;
	_ =	sdelay $0x1  }
0x181: {  	v3 =	vadd.s32 v1, v3;
	_ =	sdelay $0x2  }
0x182: {  	[tilespmem:s23], [sflag:$0x1] =	stream.indirect_vreg.gather [hbm4b:s1+s3], $0x80, v4, vm0, $0xb8;
	[tilespmem:$0x9100] =	vst v63  }
0x183: {  	_ = 	snop  }
0x184: {  	[tilespmem:s24], [sflag:$0x1] =	stream.indirect_vreg.gather [hbm4b:s1+s3], $0x80, v3, vm0, $0xb8;
	[tilespmem:$0x9100] =	vst v63  }
0x185: {  	v3 =	vld [tilespmem:$0x60];
	_ =	sdelay $0x4  }
0x186: {  	v61 =	vshll.u32 v3, $0x1  }
0x187: {  	v3 =	vand.u32 $0x7, v3;
	v4 =	vand.u32 $0xFFFFFFF0, v61  }
0x188: {  	v3 =	vor.u32 v3, v4  }
0x189: {  	v4 =	vperm.xlane v3, v0;
	_ =	sdelay $0x1  }
0x18a: {  	v3 =	vperm.xlane v3, v2;
	v4 =	vadd.s32 v1, v4;
	_ =	sdelay $0x1  }
0x18b: {  	v3 =	vadd.s32 v1, v3;
	_ =	sdelay $0x2  }
0x18c: {  	[tilespmem:s25], [sflag:$0x1] =	stream.indirect_vreg.gather [hbm4b:s1+s3], $0x80, v4, vm0, $0xb8;
	[tilespmem:$0x9100] =	vst v63  }
0x18d: {  	_ = 	snop  }
0x18e: {  	[tilespmem:s26], [sflag:$0x1] =	stream.indirect_vreg.gather [hbm4b:s1+s3], $0x80, v3, vm0, $0xb8;
	[tilespmem:$0x9100] =	vst v63  }
0x18f: {  	v3 =	vld [tilespmem:$0x70];
	_ =	sdelay $0x4  }
0x190: {  	v62 =	vshll.u32 v3, $0x1  }
0x191: {  	v3 =	vand.u32 $0x7, v3;
	v4 =	vand.u32 $0xFFFFFFF0, v62  }
0x192: {  	v3 =	vor.u32 v3, v4  }
0x193: {  	v4 =	vperm.xlane v3, v0;
	_ =	sdelay $0x1  }
0x194: {  	v3 =	vperm.xlane v3, v2;
	v4 =	vadd.s32 v1, v4;
	_ =	sdelay $0x1  }
0x195: {  	v3 =	vadd.s32 v1, v3;
	_ =	sdelay $0x2  }
0x196: {  	[tilespmem:s28], [sflag:$0x1] =	stream.indirect_vreg.gather [hbm4b:s1+s3], $0x80, v4, vm0, $0xb8;
	[tilespmem:$0x9100] =	vst v63  }
0x197: {  	_ = 	snop  }
0x198: {  	[tilespmem:s29], [sflag:$0x1] =	stream.indirect_vreg.gather [hbm4b:s1+s3], $0x80, v3, vm0, $0xb8;
	[tilespmem:$0x9100] =	vst v63  }
0x199: {  	v3 =	vld [tilespmem:$0x80];
	_ =	sdelay $0x4  }
0x19a: {  	v63 =	vshll.u32 v3, $0x1  }
0x19b: {  	v3 =	vand.u32 $0x7, v3;
	v4 =	vand.u32 $0xFFFFFFF0, v63  }
0x19c: {  	v3 =	vor.u32 v3, v4  }
0x19d: {  	v4 =	vperm.xlane v3, v0;
	_ =	sdelay $0x1  }
0x19e: {  	v3 =	vperm.xlane v3, v2;
	v4 =	vadd.s32 v1, v4;
	_ =	sdelay $0x1  }
0x19f: {  	v3 =	vadd.s32 v1, v3;
	_ =	sdelay $0x2  }
0x1a0: {  	[tilespmem:s30], [sflag:$0x1] =	stream.indirect_vreg.gather [hbm4b:s1+s3], $0x80, v4, vm0, $0xb8;
	[tilespmem:$0x9100] =	vst v63  }
0x1a1: {  	_ = 	snop  }
0x1a2: {  	[tilespmem:s31], [sflag:$0x1] =	stream.indirect_vreg.gather [hbm4b:s1+s3], $0x80, v3, vm0, $0xb8;
	[tilespmem:$0x9100] =	vst v63  }
0x1a3: {  	_ =	swait.ge [sflag:s2], $0x9000  }
0x1a4: {  	p0 =	sne.s32 s11, $0x1;
	[sflag:s2] =	ssyncset.done $0x0  }
.Ltmp0:
0x1a5: {  	[sflag:s2] =	ssyncadd.s32 $0xFFFF7000;
	(pc) =	sbr.rel @p0 .LBB2_1-.Ltmp0, $4  }
0x1a6: {  	[hbm4b:s10+s3] =	stream.linear.scatter [tilespmem:s13], [sflag:$0x2], $0x9000, $0x38;
	[tilespmem:$0x9100] =	vst v63  }
0x1a7: {  	_ =	swait.ge [sflag:s12], $0x9000  }
0x1a8: {  	[sflag:s12] =	ssyncset.done $0x0  }
0x1a9: {  	s11 =	sadd.s32 $0xFFFFFFFF, s11;
	[sflag:s12] =	ssyncadd.s32 $0xFFFF7000  }
0x1aa: {  	_ =	sfence.sel $0x180000  }
0x1ab: {  	[bflag:$0x0] =	sbarrier.arrive $0xFFFF  }
0x1ac: {  	_ =	strace $0x9000004D  }
0x1ad: {  	s0 =	stileid.u32;
	[bflag:$0x2] =	sbarrier.arrive $0xFFFF  }
0x1ae: {  	p0 =	sne.s32 s0, $0x0;
	s0 =	rddreg [dreg:$0x3]  }
0x1af: {  	s0 =	sadd.s32 @!p0 $0x100000, s0  }
0x1b0: {  	[sflag:s0] =	ssyncadd.tile.s32 @!p0 $0x1;
	_ =	shalt  }
.Lfunc_end2:
_tile_overlayer_lowered:
.L_overlay_start_2:
0x1b1: {  	(tag) =	ssettag $0x2  }
0x1b2: {  	s0 =	rddreg [dreg:$0x0];
	s2 =	stileid.u32  }
0x1b3: {  	s1 =	rddreg [dreg:$0x1];
	p0 =	sne.s32 s2, $0x0  }
0x1b4: {  	s3 =	rddreg [dreg:$0x2];
	[bflag:$0x3] =	sbarrier.arrive $0xFFFF;
	s2 =	simm.s32 @!p0 $0x1C02  }
0x1b5: {  	[timem:s3], [sflag:s2] =	dma.local @!p0 [hbm:s0], s1  }
0x1b6: {  	s0 =	simm.s32 @!p0 $0x2  }
0x1b7: {  	_ =	swait.ge @!p0 [sflag:s0], s1  }
0x1b8: {  	s1 =	ssub.s32 @!p0 $0x0, s1;
	[sflag:s0] =	ssyncset.done @!p0 $0x0  }
0x1b9: {  	[sflag:s0] =	ssyncadd.s32 @!p0 s1  }
0x1ba: {  	[bflag:$0x3] =	sbarrier.arrive $0xFFFF  }
0x1bb: {  	_ =	shalt  }

// kernel: sparse-core-data-format-call.1.cloned.1.call-start
scs
called_computation.1_lowered:
.L_overlay_start_0:
0x0: {  	s2 =	sld [smem:$0x3FD9]  }
0x1: {  	s3 =	sld [smem:$0x3FFE];
	_ =	sdelay $0x1  }
0x2: {  	s1 =	srdreg.scid  }
0x3: {  	s0 =	sand.u32 $0x1, s1  }
0x4: {  	s15 =	sshll.u32 s0, $0xA;
	s2 =	sadd.s32 s3, s2  }
0x5: {  	s2 =	sadd.s32 s2, s15  }
0x6: {  	[smem:$0x3FC6] =	sst s2  }
0x7: {  	_ = 	snop  }
0x8: {  	s2 =	sld [smem:$0x3FD0];
	_ =	sdelay $0x2  }
0x9: {  	s16 =	simm.s32 $0xC;
	s4 =	simm.s32 $0x10  }
0xa: {  	[smem:s4], [sflag:s16] =	dma.local [hbm:s2], $0x1  }
0xb: {  	_ =	swait.eq [sflag:s16], $0x1  }
0xc: {  	[sflag:s16] =	ssyncset.done $0x0  }
0xd: {  	[sflag:s16] =	ssyncadd.s32 $0xFFFFFFFF  }
0xe: {  	s17 =	sld [smem:$0x12];
	(tm) =	ssettm $0x1  }
0xf: {  	s18 =	sld [smem:$0x3FFB];
	_ =	sdelay $0x3  }
0x10: {  	_ =	strace s18  }
0x11: {  	s3 =	sld [smem:$0x3FFC];
	_ =	sdelay $0x3  }
0x12: {  	_ =	strace s3  }
0x13: {  	s3 =	sld [smem:$0x3FFD];
	_ =	sdelay $0x3  }
0x14: {  	_ =	strace s3  }
0x15: {  	_ =	strace $0x8FFFFFFF  }
0x16: {  	s19 =	sld [smem:$0x3FDB];
	_ =	sdelay $0x1  }
0x17: {  	s20 =	simm.s32 $_scs_section_size  }
0x18: {  	s5 =	simm.s32 $_size__tile_overlayer_lowered;
	s6 =	simm.s32 $_tile_overlayer_lowered  }
0x19: {  	s23 =	simm.s32 $0x1BFF;
	s22 =	sshll.u32 s6, $0x1;
	s3 =	sadd.s32 s20, s19  }
0x1a: {  	s7 =	simm.s32 $0x0;
	s21 =	sshll.u32 s5, $0x1;
	s5 =	sadd.s32 s22, s3  }
0x1b: {  	[timem:s7], [sflag:s23] =	dma.local [hbm:s5], s21  }
0x1c: {  	_ =	swait.ge [sflag:s23], s21  }
0x1d: {  	s4 =	ssub.s32 $0x0, s21;
	[sflag:s23] =	ssyncset.done $0x0  }
0x1e: {  	[sflag:s23] =	ssyncadd.s32 s4;
	_ =	sdelay $0x1  }
0x1f: {  	s24 =	simm.s32 $0x1B8B  }
0x20: {  	_ =	swait.ge [sflag:s24], $0x1  }
0x21: {  	[sflag:s24] =	ssyncset.done $0x0  }
0x22: {  	s26 =	simm.s32 $0x1B8E;
	s25 =	sld [smem:$0x3FFE];
	[sflag:s24] =	ssyncadd.s32 $0xFFFFFFFF  }
0x23: {  	s27 =	simm.s32 $execute0_lowered;
	[smem:$0x3FD2] =	sst s26  }
0x24: {  	s5 =	sshll.u32 s27, $0x1;
	_ =	strace $0x80000046;
	[dreg:$0x1] =	wrdreg $0xFFFFFFFF  }
0x25: {  	s28 =	simm.s32 $_size_execute0_lowered;
	s3 =	sadd.s32 s3, s5;
	[dreg:$0x0] =	wrdreg $0x0  }
0x26: {  	s5 =	sshll.u32 s28, $0x1;
	[dreg:$0x2] =	wrdreg s3  }
0x27: {  	[dreg:$0x3] =	wrdreg s5  }
0x28: {  	[dreg:$0x4] =	wrdreg $0xC0  }
0x29: {  	_ =	task [dreg:s7], $0x5FFFF  }
0x2a: {  	[dreg:$0x1] =	wrdreg $0xFFFFFFFF  }
0x2b: {  	[dreg:$0x0] =	wrdreg $0x60  }
0x2c: {  	[dreg:$0x2] =	wrdreg s25  }
0x2d: {  	[dreg:$0x3] =	wrdreg s17  }
0x2e: {  	[dreg:$0x4] =	wrdreg $0xA  }
0x2f: {  	_ =	task.clear_ibuf [dreg:s7], $0x5FFFF;
	_ =	strace $0x90000046  }
0x30: {  	s29 =	simm.s32 $0xA;
	_ =	strace $0x80000048  }
0x31: {  	_ =	swait.ge [sflag:s29], $0x1  }
0x32: {  	[sflag:s29] =	ssyncadd.s32 $0xFFFFFFFF  }
0x33: {  	_ =	strace $0x90000048  }
0x34: {  	_ =	sfence  }
0x35: {  	s30 =	sld [smem:$0x0];
	_ =	sdelay $0x2  }
0x36: {  	s31 =	sshll.u32 s1, $0xD;
	s1 =	sshrl.u32 s1, $0x2  }
0x37: {  	s3 =	sand.u32 $0x4000, s31;
	s1 =	sadd.s32 s1, s30  }
0x38: {  	s0 =	sor.u32 s3, s0;
	s1 =	sshll.u32 s1, $0x11  }
0x39: {  	s0 =	sor.u32 s1, s0  }
0x3a: {  	s0 =	sadd.s32 $0x8F2B, s0  }
0x3b: {  	[sflag:s0] =	ssyncadd.remote.s32 $0x1  }
0x3c: {  	_ =	sfence.sel $0xFFFF  }
0x3d: {  	[dreg:$0x0] =	wrdreg $0xFFFFFFFF;
	(pc) =	sbr.abs _section_cstart, $3  }
0x3e: {  	[dreg:$0x1] =	wrdreg $0xFFFFFFFF  }
0x3f: {  	_ =	task.clear_ibuf [dreg:s7], $0x2FFFF;
	_ =	strace $0x9FFFFFFF  }
0x40: {  	(tm) =	ssettm $0x7FFFFFFF  }
0x41: {  	_ =	shalt  }
tec
execute0_lowered:
.L_overlay_start_1:
0x0: {  	(tag) =	ssettag $0x1  }
0x1: {  	s1 =	rddreg [dreg:$0x0]  }
0x2: {  	s2 =	rddreg [dreg:$0x1]  }
0x3: {  	s0 =	rddreg [dreg:$0x2]  }
0x4: {  	s4 =	srdreg.scid;
	_ =	strace $0x80000047;
	s6 =	simm.s32 $0x2  }
0x5: {  	s14 =	simm.s32 $0x0;
	p0 =	por $0x0, $0x0;
	s15 =	simm.s32 $0x0  }
0x6: {  	s16 =	simm.s32 $0x0;
	s7 =	simm.s32 $0x0;
	s9 =	simm.s32 $0x0  }
.Ltmp0:
0x7: {  	s10 =	simm.s32 $0x0;
	s11 =	simm.s32 $0x0;
	(pc) =	sbr.rel .LBB1_1-.Ltmp0, $4  }
0x8: {  	s12 =	simm.s32 $0x0;
	s3 =	sadd.s32 $0x1A00, s1;
	s4 =	sshll.u32 s4, $0x4  }
0x9: {  	s1 =	stileid.u32;
	s5 =	sand.u32 $0x10, s4;
	s4 =	simm.s32 $0x1  }
0xa: {  	s8 =	simm.s32 $0x0;
	s5 =	sor.u32 s1, s5;
	[sflag:s4] =	ssyncpa.u1 $0x0  }
0xb: {  	[sflag:s6] =	ssyncpa.u1 $0x0;
	s6 =	simm.s32 $0x10000;
	s13 =	smov.u32 s5  }
.LBB1_5:
0xc: {  	p1 =	slt.u32 s8, $0x2  }
0xd: {  	p2 =	sgt.s32 @!p1 s16, $0x1F  }
0xe: {  	s17 =	smov.u32 s16;
	s18 =	sshra.s32 @!p1 s16, $0x1F;
	p2 =	por !p2, p1  }
0xf: {  	s16 =	sand.u32 @!p1 s18, s16;
	s17 =	simm.s32 @p2 $0x1F  }
0x10: {  	p3 =	sgt.s32 @!p1 s15, $0x1F80;
	s16 =	ssub.s32 @!p1 s17, s16  }
0x11: {  	p3 =	por !p3, p1;
	s18 =	sshra.s32 @!p1 s15, $0x1F;
	s17 =	sadd.s32 @!p1 $0xFFFFFFE1, s16  }
0x12: {  	s16 =	ssub.s32 @!p1 $0x20, s16;
	p2 =	sgt.s32 @!p1 s17, $0x0;
	s17 =	smov.u32 s15  }
0x13: {  	s15 =	sand.u32 @!p1 s18, s15;
	s17 =	simm.s32 @p3 $0x1F80;
	p3 =	sgt.s32 @!p1 s14, $0x1C0  }
0x14: {  	s18 =	smov.u32 s14;
	p2 =	por !p2, p1;
	p3 =	por !p3, p1  }
0x15: {  	s15 =	ssub.s32 @!p1 s17, s15;
	s17 =	sshra.s32 @!p1 s14, $0x1F;
	s16 =	simm.s32 @!p2 $0x0  }
0x16: {  	s18 =	simm.s32 @p3 $0x1C0;
	s14 =	sand.u32 @!p1 s17, s14;
	s17 =	sadd.s32 @!p1 $0xFFFFE080, s15  }
0x17: {  	s15 =	ssub.s32 @!p1 $0x2000, s15;
	s14 =	ssub.s32 @!p1 s18, s14;
	p2 =	sgt.s32 @!p1 s17, $0x7F  }
0x18: {  	s18 =	smov.u32 s12;
	s17 =	sadd.s32 @!p1 $0xFFFFFE40, s14;
	p2 =	por !p2, p1  }
0x19: {  	s14 =	ssub.s32 @!p1 $0x240, s14;
	p3 =	sgt.s32 @!p1 s17, $0x7F;
	s15 =	simm.s32 @!p2 $0x0  }
0x1a: {  	s17 =	sadd.s32 $0x80, s11;
	p2 =	por !p3, p1;
	s15 =	smul.u32 @!p1 s16, s15  }
0x1b: {  	s16 =	sadd.s32 $0x80, s12;
	s14 =	simm.s32 @!p2 $0x0;
	p2 =	sgt.s32 s17, $0x23F  }
0x1c: {  	s19 =	smov.u32 s13;
	s18 =	smov.u32 @p2 s16  }
0x1d: {  	s14 =	smul.u32 @!p1 s14, s15;
	s15 =	sadd.s32 $0x20, s13;
	p3 =	sgt.s32 s18, $0x1FFF  }
0x1e: {  	s8 =	sadd.s32 $0x1, s8;
	p0 =	por !p0, !p0;
	s19 =	smov.u32 @p3 s15  }
0x1f: {  	s20 =	simm.s32 @!p1 $0x2;
	s17 =	simm.s32 @p2 $0x0;
	p2 =	sgt.s32 s19, $0x1F  }
0x20: {  	s16 =	smov.u32 s10;
	s19 =	smov.u32 @p2 s5;
	p2 =	sne.s32 s8, $0x142  }
.Ltmp1:
0x21: {  	s10 =	smov.u32 s13;
	s14 =	sand.u32 @!p1 $0x3FFFFFFF, s14;
	(pc) =	sbr.rel @!p2 .LBB1_6-.Ltmp1, $4  }
0x22: {  	s18 =	simm.s32 @p3 $0x0;
	s15 =	smov.u32 s9;
	s9 =	smov.u32 s12  }
0x23: {  	_ =	swait.ge @!p1 [sflag:s20], s14;
	s21 =	ssub.s32 @!p1 $0x0, s14;
	s14 =	smov.u32 s7  }
0x24: {  	s7 =	smov.u32 s11;
	s11 =	smov.u32 s17;
	[sflag:s20] =	ssyncset.done @!p1 $0x0  }
0x25: {  	s12 =	smov.u32 s18;
	[sflag:s20] =	ssyncadd.s32 @!p1 s21;
	s13 =	smov.u32 s19  }
.LBB1_1:
0x26: {  	p1 =	sgt.u32 s8, $0x13F  }
0x27: {  	s17 =	sshrl.u32 @!p1 s12, $0x3  }
0x28: {  	s18 =	sshll.u32 @!p1 s11, $0x3;
	s17 =	smul.u32 @!p1 $0x1400, s17  }
0x29: {  	s19 =	sshll.u32 @!p1 s12, $0x7;
	s18 =	sand.u32 @!p1 $0xFFFFFC00, s18  }
0x2a: {  	s17 =	sadd.s32 @!p1 s17, s18;
	s18 =	sand.u32 @!p1 $0x380, s19  }
0x2b: {  	s19 =	sand.u32 @!p1 $0x7F, s11;
	s17 =	sor.u32 @!p1 s18, s17  }
0x2c: {  	s18 =	sor.u32 @!p1 s19, s17  }
0x2d: {  	s19 =	smulhi.u32 @!p1 $0xCCCCCCCD, s18  }
0x2e: {  	s17 =	smulhi.u32 @!p1 $0xCCCCCCCD, s17  }
0x2f: {  	s19 =	sshrl.u32 @!p1 s19, $0x9  }
0x30: {  	s17 =	sshrl.u32 @!p1 s17, $0x9;
	s19 =	smul.u32 @!p1 $0x280, s19  }
0x31: {  	s20 =	sxor.u32 @!p1 $0xFFFFFFFF, s8;
	s21 =	smul.u32 @!p1 $0xA0000, s13;
	s17 =	sand.u32 @!p1 $0x1FFF, s17  }
0x32: {  	s20 =	sshll.u32 @!p1 s20, $0xE;
	s17 =	smul.u32 @!p1 $0x50, s17;
	s18 =	ssub.s32 @!p1 s18, s19  }
0x33: {  	s19 =	sand.u32 @!p1 $0x4000, s20;
	s20 =	sadd.s32 @!p1 s3, s21;
	s21 =	sand.u32 @!p1 $0x7, s18  }
0x34: {  	s18 =	sshrl.u32 @!p1 s18, $0x3;
	s17 =	sadd.s32 @!p1 s17, s20;
	s20 =	sshll.u32 @!p1 s21, $0x12  }
0x35: {  	s17 =	sadd.s32 @!p1 s18, s17;
	s18 =	sor.u32 @!p1 $0x400, s20;
	s20 =	simm.s32 @!p1 $0x1400  }
0x36: {  	[tilespmem:s19], [sflag:$0x1] =	stream.strided.gather @!p1 [hbm4b:s17+s18], $0x4000, s20, s18, $0x38;
	[tilespmem:$0x10100] =	vst v63  }
0x37: {  	p1 =	seq.s32 s8, $0x0  }
0x38: {  	p2 =	seq.s32 @!p1 s8, $0x141  }
0x39: {  	p1 =	por p1, p2  }
.Ltmp2:
0x3a: {  	_ = 	snop;
	(pc) =	sbr.rel @p1 .LBB1_5-.Ltmp2, $1  }
0x3b: {  	_ =	sdelay $0x3  }
0x3c: {  	s17 =	simm.s32 $0x1  }
0x3d: {  	_ =	swait.ge [sflag:s4], $0x4000;
	s17 =	simm.s32 @!p0 $0x0  }
0x3e: {  	[sflag:s4] =	ssyncset.done $0x0;
	s18 =	sshll.u32 s17, $0xE  }
0x3f: {  	[sflag:s4] =	ssyncadd.s32 $0xFFFFC000;
	s18 =	sor.u32 $0x40, s18  }
0x40: {  	s17 =	smul.u32 $0x10200, s17;
	v0 =	vld [tilespmem:s18+$0x30]  }
0x41: {  	v1 =	vld [tilespmem:s18+$0xFFFFFFD0]  }
0x42: {  	s17 =	sshrl.u32 s17, $0x2;
	v5 =	vld [tilespmem:s18+$0xFFFFFFE0]  }
0x43: {  	v6 =	vld [tilespmem:s18+$0xFFFFFFF0];
	s20 =	sor.u32 $0x8000, s17  }
0x44: {  	s31 =	sand.u32 $0x1, s8;
	v4 =	vld [tilespmem:s18+$0x0];
	s19 =	sadd.s32 $0x0, s20  }
0x45: {  	v3 =	vld [tilespmem:s18+$0x10];
	s17 =	smul.u32 $0x10200, s31;
	[tilespmem:s19+$0x3870 ss:$0x81] =	vst.msk $0xffff, v0  }
0x46: {  	v2 =	vld [tilespmem:s18+$0x20];
	[tilespmem:s19+$0x810 ss:$0x81] =	vst.msk $0xffff, v1  }
0x47: {  	s17 =	sshrl.u32 s17, $0x2;
	v1 =	vld [tilespmem:s18+$0xFFFFFFC0];
	[tilespmem:s19+$0x1020 ss:$0x81] =	vst.msk $0xffff, v5;
	s18 =	sadd.s32 $0x80, s18  }
0x48: {  	s21 =	simm.s32 $0x4;
	s22 =	simm.s32 $0x8;
	s17 =	sor.u32 $0x8000, s17;
	[tilespmem:s19+$0x1830 ss:$0x81] =	vst.msk $0xffff, v6;
	v0 =	vld [tilespmem:s18+$0x30]  }
.LBB1_3:
0x49: {  	p1 =	sne.s32 s22, $0x1FC;
	v5 =	vld [tilespmem:s18+$0xFFFFFFD0];
	[tilespmem:s19+$0x2040 ss:$0x81] =	vst.msk $0xffff, v4  }
0x4a: {  	v6 =	vld [tilespmem:s18+$0xFFFFFFE0];
	[tilespmem:s19+$0x2850 ss:$0x81] =	vst.msk $0xffff, v3  }
0x4b: {  	s23 =	sshra.s32 s21, $0x2;
	s21 =	smov.u32 s22;
	v7 =	vld [tilespmem:s18+$0xFFFFFFF0];
	[tilespmem:s19+$0x3060 ss:$0x81] =	vst.msk $0xffff, v2  }
.Ltmp3:
0x4c: {  	v4 =	vld [tilespmem:s18+$0x0];
	[tilespmem:s19+$0x0 ss:$0x81] =	vst.msk $0xffff, v1;
	s19 =	sadd.s32 s23, s20;
	(pc) =	sbr.rel @p1 .LBB1_3-.Ltmp3, $4  }
0x4d: {  	v3 =	vld [tilespmem:s18+$0x10];
	[tilespmem:s19+$0x3870 ss:$0x81] =	vst.msk $0xffff, v0  }
0x4e: {  	[tilespmem:s19+$0x810 ss:$0x81] =	vst.msk $0xffff, v5;
	v2 =	vld [tilespmem:s18+$0x20]  }
0x4f: {  	v1 =	vld [tilespmem:s18+$0xFFFFFFC0];
	[tilespmem:s19+$0x1020 ss:$0x81] =	vst.msk $0xffff, v6;
	s18 =	sadd.s32 $0x80, s18  }
0x50: {  	s22 =	sadd.s32 $0x4, s22;
	v0 =	vld [tilespmem:s18+$0x30];
	[tilespmem:s19+$0x1830 ss:$0x81] =	vst.msk $0xffff, v7  }
0x51: {  	s21 =	sshra.s32 s21, $0x2;
	s28 =	sshll.u32 s7, $0xD;
	p1 =	sgt.s32 s10, $0x1F  }
0x52: {  	s22 =	smov.u32 s10;
	s23 =	sshra.s32 s10, $0x1F;
	s24 =	sshll.u32 s9, $0x3  }
0x53: {  	s26 =	smov.u32 s9;
	s27 =	sshra.s32 s9, $0x1F;
	s30 =	sshra.s32 s7, $0x1F  }
0x54: {  	s20 =	sadd.s32 s21, s20;
	s22 =	simm.s32 @!p1 $0x1F;
	s23 =	sand.u32 s23, s10  }
0x55: {  	s21 =	sand.u32 $0xFFFF0000, s28;
	s25 =	sand.u32 $0xFFFFFC00, s24;
	p1 =	sgt.s32 s7, $0x1C0  }
0x56: {  	s29 =	sand.u32 s27, s9;
	s27 =	sshll.u32 s7, $0x7;
	s22 =	ssub.s32 s22, s23  }
0x57: {  	s21 =	sadd.s32 s25, s21;
	s25 =	smov.u32 s7;
	s23 =	sadd.s32 $0xFFFFFFE1, s22  }
0x58: {  	s25 =	simm.s32 @!p1 $0x1C0;
	p1 =	sgt.s32 s9, $0x1F80;
	s21 =	sshrl.u32 s21, $0xD  }
0x59: {  	v5 =	vld [tilespmem:s18+$0xFFFFFFD0];
	[tilespmem:s19+$0x2040 ss:$0x81] =	vst.msk $0xffff, v4;
	s22 =	ssub.s32 $0x20, s22;
	s26 =	simm.s32 @!p1 $0x1F80;
	p1 =	sgt.s32 s23, $0x0  }
0x5a: {  	v58 =	vld [tilespmem:s18+$0xFFFFFFE0];
	[tilespmem:s19+$0x2850 ss:$0x81] =	vst.msk $0xffff, v3;
	s28 =	smulhi.u32 $0x71C71D, s21;
	s23 =	ssub.s32 s26, s29;
	s26 =	sand.u32 s30, s7  }
0x5b: {  	v59 =	vld [tilespmem:s18+$0xFFFFFFF0];
	[tilespmem:s19+$0x3060 ss:$0x81] =	vst.msk $0xffff, v2;
	s22 =	simm.s32 @p1 $0x0;
	s29 =	sand.u32 $0x78, s9;
	s30 =	sand.u32 $0x380, s27  }
0x5c: {  	v60 =	vld [tilespmem:s18+$0x0];
	[tilespmem:s19+$0x0 ss:$0x81] =	vst.msk $0xffff, v1;
	s25 =	ssub.s32 s25, s26;
	s31 =	sadd.s32 $0xFFFFE080, s23;
	s23 =	ssub.s32 $0x2000, s23  }
0x5d: {  	v61 =	vld [tilespmem:s18+$0x10];
	[tilespmem:s20+$0x3870 ss:$0x81] =	vst.msk $0xffff, v0;
	s19 =	smul.u32 $0x240, s28;
	s28 =	sand.u32 $0x7, s9;
	p1 =	sgt.s32 s31, $0x7F  }
0x5e: {  	v62 =	vld [tilespmem:s18+$0x20];
	[tilespmem:s20+$0x810 ss:$0x81] =	vst.msk $0xffff, v5;
	s26 =	sadd.s32 $0xFFFFFE40, s25;
	s31 =	sand.u32 $0x1C00, s24;
	s24 =	ssub.s32 $0x240, s25  }
0x5f: {  	v63 =	vld [tilespmem:s18+$0xFFFFFFC0];
	[tilespmem:s20+$0x1020 ss:$0x81] =	vst.msk $0xffff, v58;
	s25 =	smul.u32 $0x90000, s10;
	s23 =	simm.s32 @p1 $0x0;
	p1 =	sgt.s32 s26, $0x7F  }
0x60: {  	[tilespmem:s20+$0x1830 ss:$0x81] =	vst.msk $0xffff, v59;
	s18 =	sor.u32 s29, s31;
	s19 =	ssub.s32 s21, s19;
	s22 =	smul.u32 s22, s23  }
.Ltmp4:
0x61: {  	[tilespmem:s20+$0x2040 ss:$0x81] =	vst.msk $0xffff, v60;
	s24 =	simm.s32 @p1 $0x0;
	s18 =	sor.u32 s30, s18;
	(pc) =	sbr.rel .LBB1_5-.Ltmp4, $4  }
0x62: {  	[tilespmem:s20+$0x2850 ss:$0x81] =	vst.msk $0xffff, v61;
	s27 =	sadd.s32 s2, s25;
	s18 =	sshrl.u32 s18, $0x3;
	s26 =	smul.u32 s24, s22  }
0x63: {  	[tilespmem:s20+$0x3060 ss:$0x81] =	vst.msk $0xffff, v62;
	s29 =	sshll.u32 s28, $0x12;
	s19 =	sshll.u32 s19, $0xA;
	s18 =	sadd.s32 s18, s27  }
0x64: {  	[tilespmem:s20+$0x0 ss:$0x81] =	vst.msk $0xffff, v63;
	s31 =	sor.u32 $0x400, s29;
	s18 =	sadd.s32 s19, s18;
	s30 =	sand.u32 $0x3FFFFFFF, s26  }
0x65: {  	[hbm4b:s18+s31] =	stream.strided.scatter [tilespmem:s17], [sflag:$0x2], s30, s6, s31, $0x20;
	[tilespmem:$0x10100] =	vst v63  }
.LBB1_6:
0x66: {  	_ =	sfence.sel $0x180000  }
0x67: {  	s2 =	simm.s32 $0x1;
	[bflag:$0x0] =	sbarrier.arrive $0xFFFF  }
0x68: {  	s31 =	simm.s32 $0x2;
	[sflag:s2] =	ssyncpa.u1 $0x1  }
0x69: {  	[sflag:s31] =	ssyncpa.u1 $0x1  }
0x6a: {  	p0 =	sne.s32 s1, $0x0;
	_ =	strace $0x90000047  }
0x6b: {  	s0 =	sadd.s32 @!p0 $0x100000, s0;
	[bflag:$0x2] =	sbarrier.arrive $0xFFFF  }
0x6c: {  	[sflag:s0] =	ssyncadd.tile.s32 @!p0 $0x1;
	_ =	shalt  }
.Lfunc_end1:
_tile_overlayer_lowered:
.L_overlay_start_2:
0x6d: {  	(tag) =	ssettag $0x2  }
0x6e: {  	s0 =	rddreg [dreg:$0x0];
	s2 =	stileid.u32  }
0x6f: {  	s1 =	rddreg [dreg:$0x1];
	p0 =	sne.s32 s2, $0x0  }
0x70: {  	s3 =	rddreg [dreg:$0x2];
	[bflag:$0x3] =	sbarrier.arrive $0xFFFF;
	s2 =	simm.s32 @!p0 $0x1C01  }
0x71: {  	[timem:s3], [sflag:s2] =	dma.local @!p0 [hbm:s0], s1  }
0x72: {  	s0 =	simm.s32 @!p0 $0x1  }
0x73: {  	_ =	swait.ge @!p0 [sflag:s0], s1  }
0x74: {  	s1 =	ssub.s32 @!p0 $0x0, s1;
	[sflag:s0] =	ssyncset.done @!p0 $0x0  }
0x75: {  	[sflag:s0] =	ssyncadd.s32 @!p0 s1  }
0x76: {  	[bflag:$0x3] =	sbarrier.arrive $0xFFFF  }
0x77: {  	_ =	shalt  }

// kernel: sparse-core-data-format-call.cloned.1.call-start
scs
called_computation_lowered:
.L_overlay_start_0:
0x0: {  	s2 =	sld [smem:$0x3FD9]  }
0x1: {  	s3 =	sld [smem:$0x3FFE];
	_ =	sdelay $0x1  }
0x2: {  	s1 =	srdreg.scid  }
0x3: {  	s0 =	sand.u32 $0x1, s1  }
0x4: {  	s16 =	sshll.u32 s0, $0xA;
	s2 =	sadd.s32 s3, s2  }
0x5: {  	s2 =	sadd.s32 s2, s16  }
0x6: {  	[smem:$0x3FC6] =	sst s2  }
0x7: {  	_ = 	snop  }
0x8: {  	s2 =	sld [smem:$0x3FD0];
	_ =	sdelay $0x2  }
0x9: {  	s17 =	simm.s32 $0xC;
	s4 =	simm.s32 $0x10  }
0xa: {  	[smem:s4], [sflag:s17] =	dma.local [hbm:s2], $0x1  }
0xb: {  	_ =	swait.eq [sflag:s17], $0x1  }
0xc: {  	[sflag:s17] =	ssyncset.done $0x0  }
0xd: {  	[sflag:s17] =	ssyncadd.s32 $0xFFFFFFFF  }
0xe: {  	s18 =	sld [smem:$0x14];
	(tm) =	ssettm $0x1  }
0xf: {  	s19 =	sld [smem:$0x3FFB];
	_ =	sdelay $0x3  }
0x10: {  	_ =	strace s19  }
0x11: {  	s2 =	sld [smem:$0x3FFC];
	_ =	sdelay $0x3  }
0x12: {  	_ =	strace s2  }
0x13: {  	s2 =	sld [smem:$0x3FFD];
	_ =	sdelay $0x3  }
0x14: {  	_ =	strace s2  }
0x15: {  	_ =	strace $0x8FFFFFFF  }
0x16: {  	s20 =	sld [smem:$0x3FDB];
	_ =	sdelay $0x1  }
0x17: {  	s21 =	simm.s32 $_scs_section_size  }
0x18: {  	s5 =	simm.s32 $_size__tile_overlayer_lowered;
	s6 =	simm.s32 $_tile_overlayer_lowered  }
0x19: {  	s7 =	simm.s32 $0x1BFF;
	s22 =	sshll.u32 s6, $0x1;
	s4 =	sadd.s32 s21, s20  }
0x1a: {  	s23 =	simm.s32 $0x0;
	s5 =	sshll.u32 s5, $0x1;
	s6 =	sadd.s32 s22, s4  }
0x1b: {  	[timem:s23], [sflag:s7] =	dma.local [hbm:s6], s5  }
0x1c: {  	_ =	swait.ge [sflag:s7], s5  }
0x1d: {  	s5 =	ssub.s32 $0x0, s5;
	[sflag:s7] =	ssyncset.done $0x0  }
0x1e: {  	[sflag:s7] =	ssyncadd.s32 s5;
	_ =	sdelay $0x1  }
0x1f: {  	s24 =	simm.s32 $0x1B8B  }
0x20: {  	_ =	swait.ge [sflag:s24], $0x1  }
0x21: {  	[sflag:s24] =	ssyncset.done $0x0  }
0x22: {  	[sflag:s24] =	ssyncadd.s32 $0xFFFFFFFF  }
0x23: {  	s5 =	sld [smem:$0x0]  }
0x24: {  	s6 =	sand.u32 $0xFFFFFFFE, s1  }
0x25: {  	p0 =	sne.s32 s1, s6  }
0x26: {  	s6 =	sshll.u32 @p0 s6, $0xE  }
0x27: {  	s6 =	sadd.s32 @p0 $0x11B8D, s6;
	s7 =	sshll.u32 @p0 s5, $0x11  }
0x28: {  	s6 =	sor.u32 @p0 s7, s6  }
0x29: {  	[sflag:s6] =	ssyncadd.remote.s32 @p0 $0x1;
	_ =	sdelay $0x1  }
0x2a: {  	s6 =	simm.s32 @p0 $0x1B8D  }
0x2b: {  	_ =	swait.eq @p0 [sflag:s6], $0x1  }
0x2c: {  	[sflag:s6] =	ssyncadd.s32 @p0 $0xFFFFFFFF  }
0x2d: {  	s7 =	sshll.u32 @!p0 s1, $0xE  }
0x2e: {  	s7 =	sor.u32 @!p0 $0x4000, s7;
	s6 =	simm.s32 @!p0 $0x1B8D  }
0x2f: {  	s5 =	sshll.u32 @!p0 s5, $0x11;
	s7 =	sadd.s32 @!p0 $0x11B8D, s7;
	_ =	swait.eq @!p0 [sflag:s6], $0x1  }
0x30: {  	s5 =	sor.u32 @!p0 s5, s7;
	[sflag:s6] =	ssyncadd.s32 @!p0 $0xFFFFFFFF  }
0x31: {  	s26 =	simm.s32 $0x1B8E;
	s25 =	sld [smem:$0x3FFE];
	[sflag:s5] =	ssyncadd.remote.s32 @!p0 $0x1  }
0x32: {  	s27 =	simm.s32 $execute0_lowered;
	[smem:$0x3FD2] =	sst s26  }
0x33: {  	s6 =	sshll.u32 s27, $0x1;
	_ =	strace $0x80000049;
	[dreg:$0x1] =	wrdreg $0xFFFFFFFF  }
0x34: {  	s28 =	simm.s32 $_size_execute0_lowered;
	s4 =	sadd.s32 s4, s6;
	[dreg:$0x0] =	wrdreg $0x0  }
0x35: {  	s6 =	sshll.u32 s28, $0x1;
	[dreg:$0x2] =	wrdreg s4  }
0x36: {  	[dreg:$0x3] =	wrdreg s6  }
0x37: {  	[dreg:$0x4] =	wrdreg $0xC0  }
0x38: {  	_ =	task [dreg:s23], $0x5FFFF  }
0x39: {  	[dreg:$0x1] =	wrdreg $0xFFFFFFFF  }
0x3a: {  	[dreg:$0x0] =	wrdreg $0x60  }
0x3b: {  	[dreg:$0x2] =	wrdreg s25  }
0x3c: {  	[dreg:$0x3] =	wrdreg s18  }
0x3d: {  	[dreg:$0x4] =	wrdreg $0x9  }
0x3e: {  	_ =	task.clear_ibuf [dreg:s23], $0x5FFFF;
	_ =	strace $0x90000049  }
0x3f: {  	s29 =	simm.s32 $0x9;
	_ =	strace $0x8000004B  }
0x40: {  	_ =	swait.ge [sflag:s29], $0x1  }
0x41: {  	[sflag:s29] =	ssyncadd.s32 $0xFFFFFFFF  }
0x42: {  	_ =	strace $0x9000004B  }
0x43: {  	_ =	sfence  }
0x44: {  	s30 =	sld [smem:$0x0];
	_ =	sdelay $0x2  }
0x45: {  	s31 =	sshll.u32 s1, $0xD;
	s1 =	sshrl.u32 s1, $0x2  }
0x46: {  	s4 =	sand.u32 $0x4000, s31;
	s1 =	sadd.s32 s1, s30  }
0x47: {  	s0 =	sor.u32 s4, s0;
	s1 =	sshll.u32 s1, $0x11  }
0x48: {  	s0 =	sor.u32 s1, s0  }
0x49: {  	s0 =	sadd.s32 $0x8F2B, s0  }
0x4a: {  	[sflag:s0] =	ssyncadd.remote.s32 $0x1  }
0x4b: {  	_ =	sfence.sel $0xFFFF  }
0x4c: {  	[dreg:$0x0] =	wrdreg $0xFFFFFFFF;
	(pc) =	sbr.abs _section_cstart, $3  }
0x4d: {  	[dreg:$0x1] =	wrdreg $0xFFFFFFFF  }
0x4e: {  	_ =	task.clear_ibuf [dreg:s23], $0x2FFFF;
	_ =	strace $0x9FFFFFFF  }
0x4f: {  	(tm) =	ssettm $0x7FFFFFFF  }
tec
execute0_lowered:
.L_overlay_start_1:
0x0: {  	(tag) =	ssettag $0x1  }
0x1: {  	s1 =	rddreg [dreg:$0x0]  }
0x2: {  	s2 =	rddreg [dreg:$0x1]  }
0x3: {  	s0 =	rddreg [dreg:$0x2]  }
0x4: {  	s4 =	srdreg.scid;
	_ =	strace $0x8000004A;
	s6 =	simm.s32 $0x2  }
0x5: {  	s14 =	simm.s32 $0x0;
	p0 =	por $0x0, $0x0;
	s15 =	simm.s32 $0x0  }
0x6: {  	s16 =	simm.s32 $0x0;
	s7 =	simm.s32 $0x0;
	s9 =	simm.s32 $0x0  }
.Ltmp0:
0x7: {  	s10 =	simm.s32 $0x0;
	s11 =	simm.s32 $0x0;
	(pc) =	sbr.rel .LBB1_1-.Ltmp0, $4  }
0x8: {  	s12 =	simm.s32 $0x0;
	s3 =	sadd.s32 $0x1401A00, s1;
	s4 =	sshll.u32 s4, $0x4  }
0x9: {  	s1 =	stileid.u32;
	s5 =	sand.u32 $0x10, s4;
	s4 =	simm.s32 $0x1  }
0xa: {  	s8 =	simm.s32 $0x0;
	s5 =	sor.u32 s1, s5;
	[sflag:s4] =	ssyncpa.u1 $0x0  }
0xb: {  	[sflag:s6] =	ssyncpa.u1 $0x0;
	s6 =	simm.s32 $0x10000;
	s13 =	smov.u32 s5  }
.LBB1_5:
0xc: {  	p1 =	slt.u32 s8, $0x2  }
0xd: {  	p2 =	sgt.s32 @!p1 s16, $0x1F  }
0xe: {  	s17 =	smov.u32 s16;
	s18 =	sshra.s32 @!p1 s16, $0x1F;
	p2 =	por !p2, p1  }
0xf: {  	s16 =	sand.u32 @!p1 s18, s16;
	s17 =	simm.s32 @p2 $0x1F  }
0x10: {  	p3 =	sgt.s32 @!p1 s15, $0x1F80;
	s16 =	ssub.s32 @!p1 s17, s16  }
0x11: {  	p3 =	por !p3, p1;
	s18 =	sshra.s32 @!p1 s15, $0x1F;
	s17 =	sadd.s32 @!p1 $0xFFFFFFE1, s16  }
0x12: {  	s16 =	ssub.s32 @!p1 $0x20, s16;
	p2 =	sgt.s32 @!p1 s17, $0x0;
	s17 =	smov.u32 s15  }
0x13: {  	s15 =	sand.u32 @!p1 s18, s15;
	s17 =	simm.s32 @p3 $0x1F80;
	p3 =	sgt.s32 @!p1 s14, $0x1C0  }
0x14: {  	s18 =	smov.u32 s14;
	p2 =	por !p2, p1;
	p3 =	por !p3, p1  }
0x15: {  	s15 =	ssub.s32 @!p1 s17, s15;
	s17 =	sshra.s32 @!p1 s14, $0x1F;
	s16 =	simm.s32 @!p2 $0x0  }
0x16: {  	s18 =	simm.s32 @p3 $0x1C0;
	s14 =	sand.u32 @!p1 s17, s14;
	s17 =	sadd.s32 @!p1 $0xFFFFE080, s15  }
0x17: {  	s15 =	ssub.s32 @!p1 $0x2000, s15;
	s14 =	ssub.s32 @!p1 s18, s14;
	p2 =	sgt.s32 @!p1 s17, $0x7F  }
0x18: {  	s18 =	smov.u32 s12;
	s17 =	sadd.s32 @!p1 $0xFFFFFE40, s14;
	p2 =	por !p2, p1  }
0x19: {  	s14 =	ssub.s32 @!p1 $0x240, s14;
	p3 =	sgt.s32 @!p1 s17, $0x7F;
	s15 =	simm.s32 @!p2 $0x0  }
0x1a: {  	s17 =	sadd.s32 $0x80, s11;
	p2 =	por !p3, p1;
	s15 =	smul.u32 @!p1 s16, s15  }
0x1b: {  	s16 =	sadd.s32 $0x80, s12;
	s14 =	simm.s32 @!p2 $0x0;
	p2 =	sgt.s32 s17, $0x23F  }
0x1c: {  	s19 =	smov.u32 s13;
	s18 =	smov.u32 @p2 s16  }
0x1d: {  	s14 =	smul.u32 @!p1 s14, s15;
	s15 =	sadd.s32 $0x20, s13;
	p3 =	sgt.s32 s18, $0x1FFF  }
0x1e: {  	s8 =	sadd.s32 $0x1, s8;
	p0 =	por !p0, !p0;
	s19 =	smov.u32 @p3 s15  }
0x1f: {  	s20 =	simm.s32 @!p1 $0x2;
	s17 =	simm.s32 @p2 $0x0;
	p2 =	sgt.s32 s19, $0x1F  }
0x20: {  	s16 =	smov.u32 s10;
	s19 =	smov.u32 @p2 s5;
	p2 =	sne.s32 s8, $0x142  }
.Ltmp1:
0x21: {  	s10 =	smov.u32 s13;
	s14 =	sand.u32 @!p1 $0x3FFFFFFF, s14;
	(pc) =	sbr.rel @!p2 .LBB1_6-.Ltmp1, $4  }
0x22: {  	s18 =	simm.s32 @p3 $0x0;
	s15 =	smov.u32 s9;
	s9 =	smov.u32 s12  }
0x23: {  	_ =	swait.ge @!p1 [sflag:s20], s14;
	s21 =	ssub.s32 @!p1 $0x0, s14;
	s14 =	smov.u32 s7  }
0x24: {  	s7 =	smov.u32 s11;
	s11 =	smov.u32 s17;
	[sflag:s20] =	ssyncset.done @!p1 $0x0  }
0x25: {  	s12 =	smov.u32 s18;
	[sflag:s20] =	ssyncadd.s32 @!p1 s21;
	s13 =	smov.u32 s19  }
.LBB1_1:
0x26: {  	p1 =	sgt.u32 s8, $0x13F  }
0x27: {  	s17 =	sshrl.u32 @!p1 s12, $0x3  }
0x28: {  	s18 =	sshll.u32 @!p1 s11, $0x3;
	s17 =	smul.u32 @!p1 $0x1400, s17  }
0x29: {  	s19 =	sshll.u32 @!p1 s12, $0x7;
	s18 =	sand.u32 @!p1 $0xFFFFFC00, s18  }
0x2a: {  	s17 =	sadd.s32 @!p1 s17, s18;
	s18 =	sand.u32 @!p1 $0x380, s19  }
0x2b: {  	s19 =	sand.u32 @!p1 $0x7F, s11;
	s17 =	sor.u32 @!p1 s18, s17  }
0x2c: {  	s18 =	sor.u32 @!p1 s19, s17  }
0x2d: {  	s19 =	smulhi.u32 @!p1 $0xCCCCCCCD, s18  }
0x2e: {  	s17 =	smulhi.u32 @!p1 $0xCCCCCCCD, s17  }
0x2f: {  	s19 =	sshrl.u32 @!p1 s19, $0x9  }
0x30: {  	s17 =	sshrl.u32 @!p1 s17, $0x9;
	s19 =	smul.u32 @!p1 $0x280, s19  }
0x31: {  	s20 =	sxor.u32 @!p1 $0xFFFFFFFF, s8;
	s21 =	smul.u32 @!p1 $0xA0000, s13;
	s17 =	sand.u32 @!p1 $0x1FFF, s17  }
0x32: {  	s20 =	sshll.u32 @!p1 s20, $0xE;
	s17 =	smul.u32 @!p1 $0x50, s17;
	s18 =	ssub.s32 @!p1 s18, s19  }
0x33: {  	s19 =	sand.u32 @!p1 $0x4000, s20;
	s20 =	sadd.s32 @!p1 s3, s21;
	s21 =	sand.u32 @!p1 $0x7, s18  }
0x34: {  	s18 =	sshrl.u32 @!p1 s18, $0x3;
	s17 =	sadd.s32 @!p1 s17, s20;
	s20 =	sshll.u32 @!p1 s21, $0x12  }
0x35: {  	s17 =	sadd.s32 @!p1 s18, s17;
	s18 =	sor.u32 @!p1 $0x400, s20;
	s20 =	simm.s32 @!p1 $0x1400  }
0x36: {  	[tilespmem:s19], [sflag:$0x1] =	stream.strided.gather @!p1 [hbm4b:s17+s18], $0x4000, s20, s18, $0x38;
	[tilespmem:$0x10100] =	vst v63  }
0x37: {  	p1 =	seq.s32 s8, $0x0  }
0x38: {  	p2 =	seq.s32 @!p1 s8, $0x141  }
0x39: {  	p1 =	por p1, p2  }
.Ltmp2:
0x3a: {  	_ = 	snop;
	(pc) =	sbr.rel @p1 .LBB1_5-.Ltmp2, $1  }
0x3b: {  	_ =	sdelay $0x3  }
0x3c: {  	s17 =	simm.s32 $0x1  }
0x3d: {  	_ =	swait.ge [sflag:s4], $0x4000;
	s17 =	simm.s32 @!p0 $0x0  }
0x3e: {  	[sflag:s4] =	ssyncset.done $0x0;
	s18 =	sshll.u32 s17, $0xE  }
0x3f: {  	[sflag:s4] =	ssyncadd.s32 $0xFFFFC000;
	s18 =	sor.u32 $0x40, s18  }
0x40: {  	s17 =	smul.u32 $0x10200, s17;
	v0 =	vld [tilespmem:s18+$0x30]  }
0x41: {  	v1 =	vld [tilespmem:s18+$0xFFFFFFD0]  }
0x42: {  	s17 =	sshrl.u32 s17, $0x2;
	v5 =	vld [tilespmem:s18+$0xFFFFFFE0]  }
0x43: {  	v6 =	vld [tilespmem:s18+$0xFFFFFFF0];
	s20 =	sor.u32 $0x8000, s17  }
0x44: {  	s31 =	sand.u32 $0x1, s8;
	v4 =	vld [tilespmem:s18+$0x0];
	s19 =	sadd.s32 $0x0, s20  }
0x45: {  	v3 =	vld [tilespmem:s18+$0x10];
	s17 =	smul.u32 $0x10200, s31;
	[tilespmem:s19+$0x3870 ss:$0x81] =	vst.msk $0xffff, v0  }
0x46: {  	v2 =	vld [tilespmem:s18+$0x20];
	[tilespmem:s19+$0x810 ss:$0x81] =	vst.msk $0xffff, v1  }
0x47: {  	s17 =	sshrl.u32 s17, $0x2;
	v1 =	vld [tilespmem:s18+$0xFFFFFFC0];
	[tilespmem:s19+$0x1020 ss:$0x81] =	vst.msk $0xffff, v5;
	s18 =	sadd.s32 $0x80, s18  }
0x48: {  	s21 =	simm.s32 $0x4;
	s22 =	simm.s32 $0x8;
	s17 =	sor.u32 $0x8000, s17;
	[tilespmem:s19+$0x1830 ss:$0x81] =	vst.msk $0xffff, v6;
	v0 =	vld [tilespmem:s18+$0x30]  }
.LBB1_3:
0x49: {  	p1 =	sne.s32 s22, $0x1FC;
	v5 =	vld [tilespmem:s18+$0xFFFFFFD0];
	[tilespmem:s19+$0x2040 ss:$0x81] =	vst.msk $0xffff, v4  }
0x4a: {  	v6 =	vld [tilespmem:s18+$0xFFFFFFE0];
	[tilespmem:s19+$0x2850 ss:$0x81] =	vst.msk $0xffff, v3  }
0x4b: {  	s23 =	sshra.s32 s21, $0x2;
	s21 =	smov.u32 s22;
	v7 =	vld [tilespmem:s18+$0xFFFFFFF0];
	[tilespmem:s19+$0x3060 ss:$0x81] =	vst.msk $0xffff, v2  }
.Ltmp3:
0x4c: {  	v4 =	vld [tilespmem:s18+$0x0];
	[tilespmem:s19+$0x0 ss:$0x81] =	vst.msk $0xffff, v1;
	s19 =	sadd.s32 s23, s20;
	(pc) =	sbr.rel @p1 .LBB1_3-.Ltmp3, $4  }
0x4d: {  	v3 =	vld [tilespmem:s18+$0x10];
	[tilespmem:s19+$0x3870 ss:$0x81] =	vst.msk $0xffff, v0  }
0x4e: {  	[tilespmem:s19+$0x810 ss:$0x81] =	vst.msk $0xffff, v5;
	v2 =	vld [tilespmem:s18+$0x20]  }
0x4f: {  	v1 =	vld [tilespmem:s18+$0xFFFFFFC0];
	[tilespmem:s19+$0x1020 ss:$0x81] =	vst.msk $0xffff, v6;
	s18 =	sadd.s32 $0x80, s18  }
0x50: {  	s22 =	sadd.s32 $0x4, s22;
	v0 =	vld [tilespmem:s18+$0x30];
	[tilespmem:s19+$0x1830 ss:$0x81] =	vst.msk $0xffff, v7  }
0x51: {  	s21 =	sshra.s32 s21, $0x2;
	s28 =	sshll.u32 s7, $0xD;
	p1 =	sgt.s32 s10, $0x1F  }
0x52: {  	s22 =	smov.u32 s10;
	s23 =	sshra.s32 s10, $0x1F;
	s24 =	sshll.u32 s9, $0x3  }
0x53: {  	s26 =	smov.u32 s9;
	s27 =	sshra.s32 s9, $0x1F;
	s30 =	sshra.s32 s7, $0x1F  }
0x54: {  	s20 =	sadd.s32 s21, s20;
	s22 =	simm.s32 @!p1 $0x1F;
	s23 =	sand.u32 s23, s10  }
0x55: {  	s21 =	sand.u32 $0xFFFF0000, s28;
	s25 =	sand.u32 $0xFFFFFC00, s24;
	p1 =	sgt.s32 s7, $0x1C0  }
0x56: {  	s29 =	sand.u32 s27, s9;
	s27 =	sshll.u32 s7, $0x7;
	s22 =	ssub.s32 s22, s23  }
0x57: {  	s21 =	sadd.s32 s25, s21;
	s25 =	smov.u32 s7;
	s23 =	sadd.s32 $0xFFFFFFE1, s22  }
0x58: {  	s25 =	simm.s32 @!p1 $0x1C0;
	p1 =	sgt.s32 s9, $0x1F80;
	s21 =	sshrl.u32 s21, $0xD  }
0x59: {  	v5 =	vld [tilespmem:s18+$0xFFFFFFD0];
	[tilespmem:s19+$0x2040 ss:$0x81] =	vst.msk $0xffff, v4;
	s22 =	ssub.s32 $0x20, s22;
	s26 =	simm.s32 @!p1 $0x1F80;
	p1 =	sgt.s32 s23, $0x0  }
0x5a: {  	v58 =	vld [tilespmem:s18+$0xFFFFFFE0];
	[tilespmem:s19+$0x2850 ss:$0x81] =	vst.msk $0xffff, v3;
	s28 =	smulhi.u32 $0x71C71D, s21;
	s23 =	ssub.s32 s26, s29;
	s26 =	sand.u32 s30, s7  }
0x5b: {  	v59 =	vld [tilespmem:s18+$0xFFFFFFF0];
	[tilespmem:s19+$0x3060 ss:$0x81] =	vst.msk $0xffff, v2;
	s22 =	simm.s32 @p1 $0x0;
	s29 =	sand.u32 $0x78, s9;
	s30 =	sand.u32 $0x380, s27  }
0x5c: {  	v60 =	vld [tilespmem:s18+$0x0];
	[tilespmem:s19+$0x0 ss:$0x81] =	vst.msk $0xffff, v1;
	s25 =	ssub.s32 s25, s26;
	s31 =	sadd.s32 $0xFFFFE080, s23;
	s23 =	ssub.s32 $0x2000, s23  }
0x5d: {  	v61 =	vld [tilespmem:s18+$0x10];
	[tilespmem:s20+$0x3870 ss:$0x81] =	vst.msk $0xffff, v0;
	s19 =	smul.u32 $0x240, s28;
	s28 =	sand.u32 $0x7, s9;
	p1 =	sgt.s32 s31, $0x7F  }
0x5e: {  	v62 =	vld [tilespmem:s18+$0x20];
	[tilespmem:s20+$0x810 ss:$0x81] =	vst.msk $0xffff, v5;
	s26 =	sadd.s32 $0xFFFFFE40, s25;
	s31 =	sand.u32 $0x1C00, s24;
	s24 =	ssub.s32 $0x240, s25  }
0x5f: {  	v63 =	vld [tilespmem:s18+$0xFFFFFFC0];
	[tilespmem:s20+$0x1020 ss:$0x81] =	vst.msk $0xffff, v58;
	s25 =	smul.u32 $0x90000, s10;
	s23 =	simm.s32 @p1 $0x0;
	p1 =	sgt.s32 s26, $0x7F  }
0x60: {  	[tilespmem:s20+$0x1830 ss:$0x81] =	vst.msk $0xffff, v59;
	s18 =	sor.u32 s29, s31;
	s19 =	ssub.s32 s21, s19;
	s22 =	smul.u32 s22, s23  }
.Ltmp4:
0x61: {  	[tilespmem:s20+$0x2040 ss:$0x81] =	vst.msk $0xffff, v60;
	s24 =	simm.s32 @p1 $0x0;
	s18 =	sor.u32 s30, s18;
	(pc) =	sbr.rel .LBB1_5-.Ltmp4, $4  }
0x62: {  	[tilespmem:s20+$0x2850 ss:$0x81] =	vst.msk $0xffff, v61;
	s27 =	sadd.s32 s2, s25;
	s18 =	sshrl.u32 s18, $0x3;
	s26 =	smul.u32 s24, s22  }
0x63: {  	[tilespmem:s20+$0x3060 ss:$0x81] =	vst.msk $0xffff, v62;
	s29 =	sshll.u32 s28, $0x12;
	s19 =	sshll.u32 s19, $0xA;
	s18 =	sadd.s32 s18, s27  }
0x64: {  	[tilespmem:s20+$0x0 ss:$0x81] =	vst.msk $0xffff, v63;
	s31 =	sor.u32 $0x400, s29;
	s18 =	sadd.s32 s19, s18;
	s30 =	sand.u32 $0x3FFFFFFF, s26  }
0x65: {  	[hbm4b:s18+s31] =	stream.strided.scatter [tilespmem:s17], [sflag:$0x2], s30, s6, s31, $0x20;
	[tilespmem:$0x10100] =	vst v63  }
.LBB1_6:
0x66: {  	_ =	sfence.sel $0x180000  }
0x67: {  	s2 =	simm.s32 $0x1;
	[bflag:$0x0] =	sbarrier.arrive $0xFFFF  }
0x68: {  	s31 =	simm.s32 $0x2;
	[sflag:s2] =	ssyncpa.u1 $0x1  }
0x69: {  	[sflag:s31] =	ssyncpa.u1 $0x1  }
0x6a: {  	p0 =	sne.s32 s1, $0x0;
	_ =	strace $0x9000004A  }
0x6b: {  	s0 =	sadd.s32 @!p0 $0x100000, s0;
	[bflag:$0x2] =	sbarrier.arrive $0xFFFF  }
0x6c: {  	[sflag:s0] =	ssyncadd.tile.s32 @!p0 $0x1;
	_ =	shalt  }
.Lfunc_end1:
_tile_overlayer_lowered:
.L_overlay_start_2:
0x6d: {  	(tag) =	ssettag $0x2  }
0x6e: {  	s0 =	rddreg [dreg:$0x0];
	s2 =	stileid.u32  }
0x6f: {  	s1 =	rddreg [dreg:$0x1];
	p0 =	sne.s32 s2, $0x0  }
0x70: {  	s3 =	rddreg [dreg:$0x2];
	[bflag:$0x3] =	sbarrier.arrive $0xFFFF;
	s2 =	simm.s32 @!p0 $0x1C01  }
0x71: {  	[timem:s3], [sflag:s2] =	dma.local @!p0 [hbm:s0], s1  }
0x72: {  	s0 =	simm.s32 @!p0 $0x1  }
0x73: {  	_ =	swait.ge @!p0 [sflag:s0], s1  }
0x74: {  	s1 =	ssub.s32 @!p0 $0x0, s1;
	[sflag:s0] =	ssyncset.done @!p0 $0x0  }
0x75: {  	[sflag:s0] =	ssyncadd.s32 @!p0 s1  }
0x76: {  	[bflag:$0x3] =	sbarrier.arrive $0xFFFF  }
0x77: {  	_ =	shalt  }

</sc_bundles>
